<compile_context>
chip_gen: v7x
topology: tpu7x:2x2x1
jax: 0.10.2.dev20260603
libtpu: 0.0.44.dev20260713+nightly
codegen_flags: <defaults>
</compile_context>

<pallas_src>
import functools

import jax
import jax.numpy as jnp
from jax import lax
from jax.experimental import pallas as pl
from jax.experimental.pallas import tpu as pltpu
from jax.experimental.pallas import tpu_sc as plsc

NUM_ROWS = 1000000
DIM = 64
BATCH = 4096
SEQ = 200
NC, NS = 2, 16
NW = NC * NS
ROWS_PER_W = BATCH // NW
R = 4
NG = ROWS_PER_W // R

_mesh = plsc.VectorSubcoreMesh(core_axis_name="c", subcore_axis_name="s")


@functools.partial(
    pl.kernel,
    mesh=_mesh,
    out_type=jax.ShapeDtypeStruct((BATCH, SEQ, DIM), jnp.float32),
    scratch_types=[
        pltpu.VMEM((ROWS_PER_W * SEQ,), jnp.int32),
        pltpu.VMEM((2, R * SEQ, DIM), jnp.float32),
        pltpu.SemaphoreType.DMA,
        pltpu.SemaphoreType.DMA,
    ],
    compiler_params=pltpu.CompilerParams(use_tc_tiling_on_sc=False),
)
def _gather_kernel(idx_hbm, table_hbm, out_hbm, idx_v, rows_v, gsem, ssem):
    wid = lax.axis_index("s") * NC + lax.axis_index("c")
    base = wid * ROWS_PER_W
    pltpu.sync_copy(idx_hbm.at[pl.ds(base * SEQ, ROWS_PER_W * SEQ)], idx_v)

    def gather(g, buf):
        pltpu.async_copy(
            table_hbm.at[idx_v.at[pl.ds(g * R * SEQ, R * SEQ)]],
            rows_v.at[buf],
            gsem,
        )

    def store(g, buf):
        for r in range(R):
            pltpu.async_copy(
                rows_v.at[buf, pl.ds(r * SEQ, SEQ)],
                out_hbm.at[base + g * R + r],
                ssem,
            )

    def wait_gather(buf):
        pltpu.make_async_copy(
            table_hbm.at[pl.ds(0, R * SEQ)], rows_v.at[buf], gsem
        ).wait()

    def wait_store(buf):
        for r in range(R):
            pltpu.make_async_copy(
                rows_v.at[buf, pl.ds(r * SEQ, SEQ)], out_hbm.at[base], ssem
            ).wait()

    def step(g, b):
        wait_gather(b)
        store(g, b)
        wait_store(1 - b)
        gather(g + 1, 1 - b)

    gather(0, 0)
    gather(1, 1)
    wait_gather(0)
    store(0, 0)

    def body(i, carry):
        step(2 * i + 1, 1)
        step(2 * i + 2, 0)
        return carry

    lax.fori_loop(0, (NG - 2) // 2, body, 0)

    wait_gather(1)
    store(NG - 1, 1)
    wait_store(0)
    wait_store(1)


def kernel(input_ids, weight):
    flat_ids = input_ids.astype(jnp.int32).reshape(-1)
    return _gather_kernel(flat_ids, weight)

# --- scband reference (transcript-rebuilt; emitter-appended) ---
"""Pipeline reference for scband-embedding-7026566497098 (READ-ONLY COPY).

The authoritative reference and input builder live on the scoring server;
editing this copy changes nothing except your own understanding.
"""

import jax, jax.numpy as jnp
import numpy as np

NUM_EMBEDDINGS = 1000000
EMBEDDING_DIM = 64

def setup_inputs(seed: int = 0) -> dict:
    key = jax.random.key(seed)
    k_idx, k_w = jax.random.split(key)
    input_ids = jax.random.randint(k_idx, (4096, 200), 0, NUM_EMBEDDINGS, dtype=jnp.int64 if jax.config.jax_enable_x64 else jnp.int32)
    weight = jax.random.normal(k_w, (NUM_EMBEDDINGS, EMBEDDING_DIM), dtype=jnp.float32) * 0.02
    return {"input_ids": input_ids, "weight": weight}

def reference(input_ids, weight):
    # F.embedding(input_ids, weight) == row gather from the table
    return jnp.take(weight, input_ids, axis=0)

if __name__ == "__main__":
    import jax
    _d = setup_inputs()
    print(jax.jit(kernel)(*tuple(_d.values())))

</pallas_src>

<mosaic_0001>
#map = affine_map<(d0, d1) -> (0)>
#map1 = affine_map<(d0, d1) -> (0, 0)>
#map2 = affine_map<(d0, d1) -> (0, 0, 0)>
module attributes {stable_mosaic.version = 14 : i64} {
  func.func @_gather_kernel(%arg0: i32, %arg1: i32, %arg2: memref<819200xi32, #tpu.memory_space<hbm>>, %arg3: memref<1000000x64xf32, #tpu.memory_space<hbm>>, %arg4: memref<4096x200x64xf32, #tpu.memory_space<hbm>>, %arg5: memref<25600xi32, #tpu.memory_space<vmem>>, %arg6: memref<2x800x64xf32, #tpu.memory_space<vmem>>, %arg7: memref<!tpu.dma_semaphore, #tpu.memory_space<semaphore_mem>>, %arg8: memref<!tpu.dma_semaphore, #tpu.memory_space<semaphore_mem>>) attributes {dimension_semantics = [#tpu.dimension_semantics<core_parallel>, #tpu.dimension_semantics<subcore_parallel>], iteration_bounds = array<i64: 2, 16>, scalar_prefetch = 0 : i64, scratch_operands = 4 : i64, tpu.core_type = #tpu.core_type<sc_vector_subcore>, window_params = [{transform_indices = #map}, {transform_indices = #map1}, {transform_indices = #map2}]} {
    %mul3A = arith.constant 2 : i32
    %mul3A_0 = arith.muli %arg1, %mul3A : i32
    %add3A = arith.addi %mul3A_0, %arg0 : i32
    %mul3A_1 = arith.constant 128 : i32
    %mul3A_2 = arith.muli %add3A, %mul3A_1 : i32
    %mul3A_3 = arith.constant 200 : i32
    %mul3A_4 = arith.muli %mul3A_2, %mul3A_3 : i32
    "tpu.region"() ({
      %run_scoped3A = tpu.sem_alloc : memref<!tpu.dma_semaphore, #tpu.memory_space<semaphore_mem>>
      %dma_start3A_362 = tpu.memref_slice %arg2[%mul3A_4] : memref<819200xi32, #tpu.memory_space<hbm>> -> memref<25600xi32, #tpu.memory_space<hbm>>
      %dma_start3A_363 = tpu.memref_slice %arg2[%mul3A_4] : memref<819200xi32, #tpu.memory_space<hbm>> -> memref<25600xi32, #tpu.memory_space<hbm>>
      tpu.enqueue_dma source(%dma_start3A_363 : memref<25600xi32, #tpu.memory_space<hbm>>) target(%arg5 : memref<25600xi32, #tpu.memory_space<vmem>>) target_semaphore(%run_scoped3A : memref<!tpu.dma_semaphore, #tpu.memory_space<semaphore_mem>>)
      %dma_wait3A_364 = tpu.memref_slice %arg2[%mul3A_4] : memref<819200xi32, #tpu.memory_space<hbm>> -> memref<25600xi32, #tpu.memory_space<hbm>>
      %dma_wait3A_365 = tpu.memref_slice %arg2[%mul3A_4] : memref<819200xi32, #tpu.memory_space<hbm>> -> memref<25600xi32, #tpu.memory_space<hbm>>
      tpu.wait_dma2 semaphore(%run_scoped3A : memref<!tpu.dma_semaphore, #tpu.memory_space<semaphore_mem>>) src(%dma_wait3A_365 : memref<25600xi32, #tpu.memory_space<hbm>>) dst(%arg5 : memref<25600xi32, #tpu.memory_space<vmem>>)
      tpu.yield
    }) : () -> ()
    %dma_start3A = arith.constant 0 : i32
    %dma_start3A_5 = arith.constant 0 : i32
    %dma_start3A_6 = arith.constant 0 : i32
    %dma_start3A_7 = tpu.memref_slice %arg6[%dma_start3A, %dma_start3A_5, %dma_start3A_6] : memref<2x800x64xf32, #tpu.memory_space<vmem>> -> memref<1x800x64xf32, #tpu.memory_space<vmem>>
    %dma_start3A_8 = tpu.memref_squeeze %dma_start3A_7 : memref<1x800x64xf32, #tpu.memory_space<vmem>> -> memref<800x64xf32, #tpu.memory_space<vmem>>
    %dma_start3A_9 = arith.constant 0 : i32
    %dma_start3A_10 = tpu.memref_slice %arg5[%dma_start3A_9] : memref<25600xi32, #tpu.memory_space<vmem>> -> memref<800xi32, #tpu.memory_space<vmem>>
    %dma_start3A_11 = arith.constant 0 : i32
    %dma_start3A_12 = arith.constant 0 : i32
    %dma_start3A_13 = tpu.memref_slice %arg3[%dma_start3A_11, %dma_start3A_12] : memref<1000000x64xf32, #tpu.memory_space<hbm>> -> memref<1000000x64xf32, #tpu.memory_space<hbm>>
    tpu.enqueue_indirect_dma source(%dma_start3A_13 : memref<1000000x64xf32, #tpu.memory_space<hbm>>) target(%dma_start3A_8 : memref<800x64xf32, #tpu.memory_space<vmem>>) offsets(%dma_start3A_10 : memref<800xi32, #tpu.memory_space<vmem>>) semaphore(%arg7 : memref<!tpu.dma_semaphore, #tpu.memory_space<semaphore_mem>>)
    %dma_start3A_14 = arith.constant 1 : i32
    %dma_start3A_15 = arith.constant 0 : i32
    %dma_start3A_16 = arith.constant 0 : i32
    %dma_start3A_17 = tpu.memref_slice %arg6[%dma_start3A_14, %dma_start3A_15, %dma_start3A_16] : memref<2x800x64xf32, #tpu.memory_space<vmem>> -> memref<1x800x64xf32, #tpu.memory_space<vmem>>
    %dma_start3A_18 = tpu.memref_squeeze %dma_start3A_17 : memref<1x800x64xf32, #tpu.memory_space<vmem>> -> memref<800x64xf32, #tpu.memory_space<vmem>>
    %dma_start3A_19 = arith.constant 800 : i32
    %dma_start3A_20 = tpu.memref_slice %arg5[%dma_start3A_19] : memref<25600xi32, #tpu.memory_space<vmem>> -> memref<800xi32, #tpu.memory_space<vmem>>
    %dma_start3A_21 = arith.constant 0 : i32
    %dma_start3A_22 = arith.constant 0 : i32
    %dma_start3A_23 = tpu.memref_slice %arg3[%dma_start3A_21, %dma_start3A_22] : memref<1000000x64xf32, #tpu.memory_space<hbm>> -> memref<1000000x64xf32, #tpu.memory_space<hbm>>
    tpu.enqueue_indirect_dma source(%dma_start3A_23 : memref<1000000x64xf32, #tpu.memory_space<hbm>>) target(%dma_start3A_18 : memref<800x64xf32, #tpu.memory_space<vmem>>) offsets(%dma_start3A_20 : memref<800xi32, #tpu.memory_space<vmem>>) semaphore(%arg7 : memref<!tpu.dma_semaphore, #tpu.memory_space<semaphore_mem>>)
    %dma_wait3A = arith.constant 0 : i32
    %dma_wait3A_24 = arith.constant 0 : i32
    %dma_wait3A_25 = arith.constant 0 : i32
    %dma_wait3A_26 = tpu.memref_slice %arg6[%dma_wait3A, %dma_wait3A_24, %dma_wait3A_25] : memref<2x800x64xf32, #tpu.memory_space<vmem>> -> memref<1x800x64xf32, #tpu.memory_space<vmem>>
    %dma_wait3A_27 = tpu.memref_squeeze %dma_wait3A_26 : memref<1x800x64xf32, #tpu.memory_space<vmem>> -> memref<800x64xf32, #tpu.memory_space<vmem>>
    %dma_wait3A_28 = arith.constant 0 : i32
    %dma_wait3A_29 = arith.constant 0 : i32
    %dma_wait3A_30 = tpu.memref_slice %arg3[%dma_wait3A_28, %dma_wait3A_29] : memref<1000000x64xf32, #tpu.memory_space<hbm>> -> memref<800x64xf32, #tpu.memory_space<hbm>>
    %dma_wait3A_31 = arith.constant 0 : i32
    %dma_wait3A_32 = arith.constant 0 : i32
    %dma_wait3A_33 = tpu.memref_slice %arg6[%dma_wait3A, %dma_wait3A_31, %dma_wait3A_32] : memref<2x800x64xf32, #tpu.memory_space<vmem>> -> memref<1x800x64xf32, #tpu.memory_space<vmem>>
    %dma_wait3A_34 = tpu.memref_squeeze %dma_wait3A_33 : memref<1x800x64xf32, #tpu.memory_space<vmem>> -> memref<800x64xf32, #tpu.memory_space<vmem>>
    %dma_wait3A_35 = arith.constant 0 : i32
    %dma_wait3A_36 = arith.constant 0 : i32
    %dma_wait3A_37 = tpu.memref_slice %arg3[%dma_wait3A_35, %dma_wait3A_36] : memref<1000000x64xf32, #tpu.memory_space<hbm>> -> memref<800x64xf32, #tpu.memory_space<hbm>>
    tpu.wait_dma2 semaphore(%arg7 : memref<!tpu.dma_semaphore, #tpu.memory_space<semaphore_mem>>) src(%dma_wait3A_37 : memref<800x64xf32, #tpu.memory_space<hbm>>) dst(%dma_wait3A_34 : memref<800x64xf32, #tpu.memory_space<vmem>>)
    %add3A_38 = arith.constant 0 : i32
    %add3A_39 = arith.addi %mul3A_2, %add3A_38 : i32
    %add3A_40 = arith.constant 0 : i32
    %add3A_41 = arith.addi %add3A_39, %add3A_40 : i32
    %dma_start3A_42 = arith.constant 0 : i32
    %dma_start3A_43 = arith.constant 0 : i32
    %dma_start3A_44 = arith.constant 0 : i32
    %dma_start3A_45 = tpu.memref_slice %arg6[%dma_start3A_42, %dma_start3A_43, %dma_start3A_44] : memref<2x800x64xf32, #tpu.memory_space<vmem>> -> memref<1x200x64xf32, #tpu.memory_space<vmem>>
    %dma_start3A_46 = tpu.memref_squeeze %dma_start3A_45 : memref<1x200x64xf32, #tpu.memory_space<vmem>> -> memref<200x64xf32, #tpu.memory_space<vmem>>
    %dma_start3A_47 = arith.constant 0 : i32
    %dma_start3A_48 = arith.constant 0 : i32
    %dma_start3A_49 = tpu.memref_slice %arg4[%add3A_41, %dma_start3A_47, %dma_start3A_48] : memref<4096x200x64xf32, #tpu.memory_space<hbm>> -> memref<1x200x64xf32, #tpu.memory_space<hbm>>
    %dma_start3A_50 = tpu.memref_squeeze %dma_start3A_49 : memref<1x200x64xf32, #tpu.memory_space<hbm>> -> memref<200x64xf32, #tpu.memory_space<hbm>>
    %dma_start3A_51 = arith.constant 0 : i32
    %dma_start3A_52 = arith.constant 0 : i32
    %dma_start3A_53 = tpu.memref_slice %arg4[%add3A_41, %dma_start3A_51, %dma_start3A_52] : memref<4096x200x64xf32, #tpu.memory_space<hbm>> -> memref<1x200x64xf32, #tpu.memory_space<hbm>>
    %dma_start3A_54 = tpu.memref_squeeze %dma_start3A_53 : memref<1x200x64xf32, #tpu.memory_space<hbm>> -> memref<200x64xf32, #tpu.memory_space<hbm>>
    %dma_start3A_55 = arith.constant 0 : i32
    %dma_start3A_56 = arith.constant 0 : i32
    %dma_start3A_57 = tpu.memref_slice %arg6[%dma_start3A_42, %dma_start3A_55, %dma_start3A_56] : memref<2x800x64xf32, #tpu.memory_space<vmem>> -> memref<1x200x64xf32, #tpu.memory_space<vmem>>
    %dma_start3A_58 = tpu.memref_squeeze %dma_start3A_57 : memref<1x200x64xf32, #tpu.memory_space<vmem>> -> memref<200x64xf32, #tpu.memory_space<vmem>>
    tpu.enqueue_dma source(%dma_start3A_58 : memref<200x64xf32, #tpu.memory_space<vmem>>) target(%dma_start3A_54 : memref<200x64xf32, #tpu.memory_space<hbm>>) target_semaphore(%arg8 : memref<!tpu.dma_semaphore, #tpu.memory_space<semaphore_mem>>)
    %add3A_59 = arith.constant 0 : i32
    %add3A_60 = arith.addi %mul3A_2, %add3A_59 : i32
    %add3A_61 = arith.constant 1 : i32
    %add3A_62 = arith.addi %add3A_60, %add3A_61 : i32
    %dma_start3A_63 = arith.constant 0 : i32
    %dma_start3A_64 = arith.constant 200 : i32
    %dma_start3A_65 = arith.constant 0 : i32
    %dma_start3A_66 = tpu.memref_slice %arg6[%dma_start3A_63, %dma_start3A_64, %dma_start3A_65] : memref<2x800x64xf32, #tpu.memory_space<vmem>> -> memref<1x200x64xf32, #tpu.memory_space<vmem>>
    %dma_start3A_67 = tpu.memref_squeeze %dma_start3A_66 : memref<1x200x64xf32, #tpu.memory_space<vmem>> -> memref<200x64xf32, #tpu.memory_space<vmem>>
    %dma_start3A_68 = arith.constant 0 : i32
    %dma_start3A_69 = arith.constant 0 : i32
    %dma_start3A_70 = tpu.memref_slice %arg4[%add3A_62, %dma_start3A_68, %dma_start3A_69] : memref<4096x200x64xf32, #tpu.memory_space<hbm>> -> memref<1x200x64xf32, #tpu.memory_space<hbm>>
    %dma_start3A_71 = tpu.memref_squeeze %dma_start3A_70 : memref<1x200x64xf32, #tpu.memory_space<hbm>> -> memref<200x64xf32, #tpu.memory_space<hbm>>
    %dma_start3A_72 = arith.constant 0 : i32
    %dma_start3A_73 = arith.constant 0 : i32
    %dma_start3A_74 = tpu.memref_slice %arg4[%add3A_62, %dma_start3A_72, %dma_start3A_73] : memref<4096x200x64xf32, #tpu.memory_space<hbm>> -> memref<1x200x64xf32, #tpu.memory_space<hbm>>
    %dma_start3A_75 = tpu.memref_squeeze %dma_start3A_74 : memref<1x200x64xf32, #tpu.memory_space<hbm>> -> memref<200x64xf32, #tpu.memory_space<hbm>>
    %dma_start3A_76 = arith.constant 200 : i32
    %dma_start3A_77 = arith.constant 0 : i32
    %dma_start3A_78 = tpu.memref_slice %arg6[%dma_start3A_63, %dma_start3A_76, %dma_start3A_77] : memref<2x800x64xf32, #tpu.memory_space<vmem>> -> memref<1x200x64xf32, #tpu.memory_space<vmem>>
    %dma_start3A_79 = tpu.memref_squeeze %dma_start3A_78 : memref<1x200x64xf32, #tpu.memory_space<vmem>> -> memref<200x64xf32, #tpu.memory_space<vmem>>
    tpu.enqueue_dma source(%dma_start3A_79 : memref<200x64xf32, #tpu.memory_space<vmem>>) target(%dma_start3A_75 : memref<200x64xf32, #tpu.memory_space<hbm>>) target_semaphore(%arg8 : memref<!tpu.dma_semaphore, #tpu.memory_space<semaphore_mem>>)
    %add3A_80 = arith.constant 0 : i32
    %add3A_81 = arith.addi %mul3A_2, %add3A_80 : i32
    %add3A_82 = arith.constant 2 : i32
    %add3A_83 = arith.addi %add3A_81, %add3A_82 : i32
    %dma_start3A_84 = arith.constant 0 : i32
    %dma_start3A_85 = arith.constant 400 : i32
    %dma_start3A_86 = arith.constant 0 : i32
    %dma_start3A_87 = tpu.memref_slice %arg6[%dma_start3A_84, %dma_start3A_85, %dma_start3A_86] : memref<2x800x64xf32, #tpu.memory_space<vmem>> -> memref<1x200x64xf32, #tpu.memory_space<vmem>>
    %dma_start3A_88 = tpu.memref_squeeze %dma_start3A_87 : memref<1x200x64xf32, #tpu.memory_space<vmem>> -> memref<200x64xf32, #tpu.memory_space<vmem>>
    %dma_start3A_89 = arith.constant 0 : i32
    %dma_start3A_90 = arith.constant 0 : i32
    %dma_start3A_91 = tpu.memref_slice %arg4[%add3A_83, %dma_start3A_89, %dma_start3A_90] : memref<4096x200x64xf32, #tpu.memory_space<hbm>> -> memref<1x200x64xf32, #tpu.memory_space<hbm>>
    %dma_start3A_92 = tpu.memref_squeeze %dma_start3A_91 : memref<1x200x64xf32, #tpu.memory_space<hbm>> -> memref<200x64xf32, #tpu.memory_space<hbm>>
    %dma_start3A_93 = arith.constant 0 : i32
    %dma_start3A_94 = arith.constant 0 : i32
    %dma_start3A_95 = tpu.memref_slice %arg4[%add3A_83, %dma_start3A_93, %dma_start3A_94] : memref<4096x200x64xf32, #tpu.memory_space<hbm>> -> memref<1x200x64xf32, #tpu.memory_space<hbm>>
    %dma_start3A_96 = tpu.memref_squeeze %dma_start3A_95 : memref<1x200x64xf32, #tpu.memory_space<hbm>> -> memref<200x64xf32, #tpu.memory_space<hbm>>
    %dma_start3A_97 = arith.constant 400 : i32
    %dma_start3A_98 = arith.constant 0 : i32
    %dma_start3A_99 = tpu.memref_slice %arg6[%dma_start3A_84, %dma_start3A_97, %dma_start3A_98] : memref<2x800x64xf32, #tpu.memory_space<vmem>> -> memref<1x200x64xf32, #tpu.memory_space<vmem>>
    %dma_start3A_100 = tpu.memref_squeeze %dma_start3A_99 : memref<1x200x64xf32, #tpu.memory_space<vmem>> -> memref<200x64xf32, #tpu.memory_space<vmem>>
    tpu.enqueue_dma source(%dma_start3A_100 : memref<200x64xf32, #tpu.memory_space<vmem>>) target(%dma_start3A_96 : memref<200x64xf32, #tpu.memory_space<hbm>>) target_semaphore(%arg8 : memref<!tpu.dma_semaphore, #tpu.memory_space<semaphore_mem>>)
    %add3A_101 = arith.constant 0 : i32
    %add3A_102 = arith.addi %mul3A_2, %add3A_101 : i32
    %add3A_103 = arith.constant 3 : i32
    %add3A_104 = arith.addi %add3A_102, %add3A_103 : i32
    %dma_start3A_105 = arith.constant 0 : i32
    %dma_start3A_106 = arith.constant 600 : i32
    %dma_start3A_107 = arith.constant 0 : i32
    %dma_start3A_108 = tpu.memref_slice %arg6[%dma_start3A_105, %dma_start3A_106, %dma_start3A_107] : memref<2x800x64xf32, #tpu.memory_space<vmem>> -> memref<1x200x64xf32, #tpu.memory_space<vmem>>
    %dma_start3A_109 = tpu.memref_squeeze %dma_start3A_108 : memref<1x200x64xf32, #tpu.memory_space<vmem>> -> memref<200x64xf32, #tpu.memory_space<vmem>>
    %dma_start3A_110 = arith.constant 0 : i32
    %dma_start3A_111 = arith.constant 0 : i32
    %dma_start3A_112 = tpu.memref_slice %arg4[%add3A_104, %dma_start3A_110, %dma_start3A_111] : memref<4096x200x64xf32, #tpu.memory_space<hbm>> -> memref<1x200x64xf32, #tpu.memory_space<hbm>>
    %dma_start3A_113 = tpu.memref_squeeze %dma_start3A_112 : memref<1x200x64xf32, #tpu.memory_space<hbm>> -> memref<200x64xf32, #tpu.memory_space<hbm>>
    %dma_start3A_114 = arith.constant 0 : i32
    %dma_start3A_115 = arith.constant 0 : i32
    %dma_start3A_116 = tpu.memref_slice %arg4[%add3A_104, %dma_start3A_114, %dma_start3A_115] : memref<4096x200x64xf32, #tpu.memory_space<hbm>> -> memref<1x200x64xf32, #tpu.memory_space<hbm>>
    %dma_start3A_117 = tpu.memref_squeeze %dma_start3A_116 : memref<1x200x64xf32, #tpu.memory_space<hbm>> -> memref<200x64xf32, #tpu.memory_space<hbm>>
    %dma_start3A_118 = arith.constant 600 : i32
    %dma_start3A_119 = arith.constant 0 : i32
    %dma_start3A_120 = tpu.memref_slice %arg6[%dma_start3A_105, %dma_start3A_118, %dma_start3A_119] : memref<2x800x64xf32, #tpu.memory_space<vmem>> -> memref<1x200x64xf32, #tpu.memory_space<vmem>>
    %dma_start3A_121 = tpu.memref_squeeze %dma_start3A_120 : memref<1x200x64xf32, #tpu.memory_space<vmem>> -> memref<200x64xf32, #tpu.memory_space<vmem>>
    tpu.enqueue_dma source(%dma_start3A_121 : memref<200x64xf32, #tpu.memory_space<vmem>>) target(%dma_start3A_117 : memref<200x64xf32, #tpu.memory_space<hbm>>) target_semaphore(%arg8 : memref<!tpu.dma_semaphore, #tpu.memory_space<semaphore_mem>>)
    %scan3A = arith.constant 0 : i32
    %scan3A_122 = arith.constant 0 : i32
    %scan3A_123 = arith.constant 15 : i32
    %scan3A_124 = arith.addi %scan3A_122, %scan3A_123 : i32
    %scan3A_125 = arith.constant 1 : i32
    scf.for %scan3A_362 = %scan3A_122 to %scan3A_124 step %scan3A_125  : i32 {
      %mul3A_363 = arith.constant 2 : i32
      %mul3A_364 = arith.muli %mul3A_363, %scan3A_362 : i32
      %add3A_365 = arith.constant 1 : i32
      %add3A_366 = arith.addi %mul3A_364, %add3A_365 : i32
      %dma_wait3A_367 = arith.constant 1 : i32
      %dma_wait3A_368 = arith.constant 0 : i32
      %dma_wait3A_369 = arith.constant 0 : i32
      %dma_wait3A_370 = tpu.memref_slice %arg6[%dma_wait3A_367, %dma_wait3A_368, %dma_wait3A_369] : memref<2x800x64xf32, #tpu.memory_space<vmem>> -> memref<1x800x64xf32, #tpu.memory_space<vmem>>
      %dma_wait3A_371 = tpu.memref_squeeze %dma_wait3A_370 : memref<1x800x64xf32, #tpu.memory_space<vmem>> -> memref<800x64xf32, #tpu.memory_space<vmem>>
      %dma_wait3A_372 = arith.constant 0 : i32
      %dma_wait3A_373 = arith.constant 0 : i32
      %dma_wait3A_374 = tpu.memref_slice %arg3[%dma_wait3A_372, %dma_wait3A_373] : memref<1000000x64xf32, #tpu.memory_space<hbm>> -> memref<800x64xf32, #tpu.memory_space<hbm>>
      %dma_wait3A_375 = arith.constant 0 : i32
      %dma_wait3A_376 = arith.constant 0 : i32
      %dma_wait3A_377 = tpu.memref_slice %arg6[%dma_wait3A_367, %dma_wait3A_375, %dma_wait3A_376] : memref<2x800x64xf32, #tpu.memory_space<vmem>> -> memref<1x800x64xf32, #tpu.memory_space<vmem>>
      %dma_wait3A_378 = tpu.memref_squeeze %dma_wait3A_377 : memref<1x800x64xf32, #tpu.memory_space<vmem>> -> memref<800x64xf32, #tpu.memory_space<vmem>>
      %dma_wait3A_379 = arith.constant 0 : i32
      %dma_wait3A_380 = arith.constant 0 : i32
      %dma_wait3A_381 = tpu.memref_slice %arg3[%dma_wait3A_379, %dma_wait3A_380] : memref<1000000x64xf32, #tpu.memory_space<hbm>> -> memref<800x64xf32, #tpu.memory_space<hbm>>
      tpu.wait_dma2 semaphore(%arg7 : memref<!tpu.dma_semaphore, #tpu.memory_space<semaphore_mem>>) src(%dma_wait3A_381 : memref<800x64xf32, #tpu.memory_space<hbm>>) dst(%dma_wait3A_378 : memref<800x64xf32, #tpu.memory_space<vmem>>)
      %mul3A_382 = arith.constant 4 : i32
      %mul3A_383 = arith.muli %add3A_366, %mul3A_382 : i32
      %add3A_384 = arith.addi %mul3A_2, %mul3A_383 : i32
      %add3A_385 = arith.constant 0 : i32
      %add3A_386 = arith.addi %add3A_384, %add3A_385 : i32
      %dma_start3A_387 = arith.constant 1 : i32
      %dma_start3A_388 = arith.constant 0 : i32
      %dma_start3A_389 = arith.constant 0 : i32
      %dma_start3A_390 = tpu.memref_slice %arg6[%dma_start3A_387, %dma_start3A_388, %dma_start3A_389] : memref<2x800x64xf32, #tpu.memory_space<vmem>> -> memref<1x200x64xf32, #tpu.memory_space<vmem>>
      %dma_start3A_391 = tpu.memref_squeeze %dma_start3A_390 : memref<1x200x64xf32, #tpu.memory_space<vmem>> -> memref<200x64xf32, #tpu.memory_space<vmem>>
      %dma_start3A_392 = arith.constant 0 : i32
      %dma_start3A_393 = arith.constant 0 : i32
      %dma_start3A_394 = tpu.memref_slice %arg4[%add3A_386, %dma_start3A_392, %dma_start3A_393] : memref<4096x200x64xf32, #tpu.memory_space<hbm>> -> memref<1x200x64xf32, #tpu.memory_space<hbm>>
      %dma_start3A_395 = tpu.memref_squeeze %dma_start3A_394 : memref<1x200x64xf32, #tpu.memory_space<hbm>> -> memref<200x64xf32, #tpu.memory_space<hbm>>
      %dma_start3A_396 = arith.constant 0 : i32
      %dma_start3A_397 = arith.constant 0 : i32
      %dma_start3A_398 = tpu.memref_slice %arg4[%add3A_386, %dma_start3A_396, %dma_start3A_397] : memref<4096x200x64xf32, #tpu.memory_space<hbm>> -> memref<1x200x64xf32, #tpu.memory_space<hbm>>
      %dma_start3A_399 = tpu.memref_squeeze %dma_start3A_398 : memref<1x200x64xf32, #tpu.memory_space<hbm>> -> memref<200x64xf32, #tpu.memory_space<hbm>>
      %dma_start3A_400 = arith.constant 0 : i32
      %dma_start3A_401 = arith.constant 0 : i32
      %dma_start3A_402 = tpu.memref_slice %arg6[%dma_start3A_387, %dma_start3A_400, %dma_start3A_401] : memref<2x800x64xf32, #tpu.memory_space<vmem>> -> memref<1x200x64xf32, #tpu.memory_space<vmem>>
      %dma_start3A_403 = tpu.memref_squeeze %dma_start3A_402 : memref<1x200x64xf32, #tpu.memory_space<vmem>> -> memref<200x64xf32, #tpu.memory_space<vmem>>
      tpu.enqueue_dma source(%dma_start3A_403 : memref<200x64xf32, #tpu.memory_space<vmem>>) target(%dma_start3A_399 : memref<200x64xf32, #tpu.memory_space<hbm>>) target_semaphore(%arg8 : memref<!tpu.dma_semaphore, #tpu.memory_space<semaphore_mem>>)
      %mul3A_404 = arith.constant 4 : i32
      %mul3A_405 = arith.muli %add3A_366, %mul3A_404 : i32
      %add3A_406 = arith.addi %mul3A_2, %mul3A_405 : i32
      %add3A_407 = arith.constant 1 : i32
      %add3A_408 = arith.addi %add3A_406, %add3A_407 : i32
      %dma_start3A_409 = arith.constant 1 : i32
      %dma_start3A_410 = arith.constant 200 : i32
      %dma_start3A_411 = arith.constant 0 : i32
      %dma_start3A_412 = tpu.memref_slice %arg6[%dma_start3A_409, %dma_start3A_410, %dma_start3A_411] : memref<2x800x64xf32, #tpu.memory_space<vmem>> -> memref<1x200x64xf32, #tpu.memory_space<vmem>>
      %dma_start3A_413 = tpu.memref_squeeze %dma_start3A_412 : memref<1x200x64xf32, #tpu.memory_space<vmem>> -> memref<200x64xf32, #tpu.memory_space<vmem>>
      %dma_start3A_414 = arith.constant 0 : i32
      %dma_start3A_415 = arith.constant 0 : i32
      %dma_start3A_416 = tpu.memref_slice %arg4[%add3A_408, %dma_start3A_414, %dma_start3A_415] : memref<4096x200x64xf32, #tpu.memory_space<hbm>> -> memref<1x200x64xf32, #tpu.memory_space<hbm>>
      %dma_start3A_417 = tpu.memref_squeeze %dma_start3A_416 : memref<1x200x64xf32, #tpu.memory_space<hbm>> -> memref<200x64xf32, #tpu.memory_space<hbm>>
      %dma_start3A_418 = arith.constant 0 : i32
      %dma_start3A_419 = arith.constant 0 : i32
      %dma_start3A_420 = tpu.memref_slice %arg4[%add3A_408, %dma_start3A_418, %dma_start3A_419] : memref<4096x200x64xf32, #tpu.memory_space<hbm>> -> memref<1x200x64xf32, #tpu.memory_space<hbm>>
      %dma_start3A_421 = tpu.memref_squeeze %dma_start3A_420 : memref<1x200x64xf32, #tpu.memory_space<hbm>> -> memref<200x64xf32, #tpu.memory_space<hbm>>
      %dma_start3A_422 = arith.constant 200 : i32
      %dma_start3A_423 = arith.constant 0 : i32
      %dma_start3A_424 = tpu.memref_slice %arg6[%dma_start3A_409, %dma_start3A_422, %dma_start3A_423] : memref<2x800x64xf32, #tpu.memory_space<vmem>> -> memref<1x200x64xf32, #tpu.memory_space<vmem>>
      %dma_start3A_425 = tpu.memref_squeeze %dma_start3A_424 : memref<1x200x64xf32, #tpu.memory_space<vmem>> -> memref<200x64xf32, #tpu.memory_space<vmem>>
      tpu.enqueue_dma source(%dma_start3A_425 : memref<200x64xf32, #tpu.memory_space<vmem>>) target(%dma_start3A_421 : memref<200x64xf32, #tpu.memory_space<hbm>>) target_semaphore(%arg8 : memref<!tpu.dma_semaphore, #tpu.memory_space<semaphore_mem>>)
      %mul3A_426 = arith.constant 4 : i32
      %mul3A_427 = arith.muli %add3A_366, %mul3A_426 : i32
      %add3A_428 = arith.addi %mul3A_2, %mul3A_427 : i32
      %add3A_429 = arith.constant 2 : i32
      %add3A_430 = arith.addi %add3A_428, %add3A_429 : i32
      %dma_start3A_431 = arith.constant 1 : i32
      %dma_start3A_432 = arith.constant 400 : i32
      %dma_start3A_433 = arith.constant 0 : i32
      %dma_start3A_434 = tpu.memref_slice %arg6[%dma_start3A_431, %dma_start3A_432, %dma_start3A_433] : memref<2x800x64xf32, #tpu.memory_space<vmem>> -> memref<1x200x64xf32, #tpu.memory_space<vmem>>
      %dma_start3A_435 = tpu.memref_squeeze %dma_start3A_434 : memref<1x200x64xf32, #tpu.memory_space<vmem>> -> memref<200x64xf32, #tpu.memory_space<vmem>>
      %dma_start3A_436 = arith.constant 0 : i32
      %dma_start3A_437 = arith.constant 0 : i32
      %dma_start3A_438 = tpu.memref_slice %arg4[%add3A_430, %dma_start3A_436, %dma_start3A_437] : memref<4096x200x64xf32, #tpu.memory_space<hbm>> -> memref<1x200x64xf32, #tpu.memory_space<hbm>>
      %dma_start3A_439 = tpu.memref_squeeze %dma_start3A_438 : memref<1x200x64xf32, #tpu.memory_space<hbm>> -> memref<200x64xf32, #tpu.memory_space<hbm>>
      %dma_start3A_440 = arith.constant 0 : i32
      %dma_start3A_441 = arith.constant 0 : i32
      %dma_start3A_442 = tpu.memref_slice %arg4[%add3A_430, %dma_start3A_440, %dma_start3A_441] : memref<4096x200x64xf32, #tpu.memory_space<hbm>> -> memref<1x200x64xf32, #tpu.memory_space<hbm>>
      %dma_start3A_443 = tpu.memref_squeeze %dma_start3A_442 : memref<1x200x64xf32, #tpu.memory_space<hbm>> -> memref<200x64xf32, #tpu.memory_space<hbm>>
      %dma_start3A_444 = arith.constant 400 : i32
      %dma_start3A_445 = arith.constant 0 : i32
      %dma_start3A_446 = tpu.memref_slice %arg6[%dma_start3A_431, %dma_start3A_444, %dma_start3A_445] : memref<2x800x64xf32, #tpu.memory_space<vmem>> -> memref<1x200x64xf32, #tpu.memory_space<vmem>>
      %dma_start3A_447 = tpu.memref_squeeze %dma_start3A_446 : memref<1x200x64xf32, #tpu.memory_space<vmem>> -> memref<200x64xf32, #tpu.memory_space<vmem>>
      tpu.enqueue_dma source(%dma_start3A_447 : memref<200x64xf32, #tpu.memory_space<vmem>>) target(%dma_start3A_443 : memref<200x64xf32, #tpu.memory_space<hbm>>) target_semaphore(%arg8 : memref<!tpu.dma_semaphore, #tpu.memory_space<semaphore_mem>>)
      %mul3A_448 = arith.constant 4 : i32
      %mul3A_449 = arith.muli %add3A_366, %mul3A_448 : i32
      %add3A_450 = arith.addi %mul3A_2, %mul3A_449 : i32
      %add3A_451 = arith.constant 3 : i32
      %add3A_452 = arith.addi %add3A_450, %add3A_451 : i32
      %dma_start3A_453 = arith.constant 1 : i32
      %dma_start3A_454 = arith.constant 600 : i32
      %dma_start3A_455 = arith.constant 0 : i32
      %dma_start3A_456 = tpu.memref_slice %arg6[%dma_start3A_453, %dma_start3A_454, %dma_start3A_455] : memref<2x800x64xf32, #tpu.memory_space<vmem>> -> memref<1x200x64xf32, #tpu.memory_space<vmem>>
      %dma_start3A_457 = tpu.memref_squeeze %dma_start3A_456 : memref<1x200x64xf32, #tpu.memory_space<vmem>> -> memref<200x64xf32, #tpu.memory_space<vmem>>
      %dma_start3A_458 = arith.constant 0 : i32
      %dma_start3A_459 = arith.constant 0 : i32
      %dma_start3A_460 = tpu.memref_slice %arg4[%add3A_452, %dma_start3A_458, %dma_start3A_459] : memref<4096x200x64xf32, #tpu.memory_space<hbm>> -> memref<1x200x64xf32, #tpu.memory_space<hbm>>
      %dma_start3A_461 = tpu.memref_squeeze %dma_start3A_460 : memref<1x200x64xf32, #tpu.memory_space<hbm>> -> memref<200x64xf32, #tpu.memory_space<hbm>>
      %dma_start3A_462 = arith.constant 0 : i32
      %dma_start3A_463 = arith.constant 0 : i32
      %dma_start3A_464 = tpu.memref_slice %arg4[%add3A_452, %dma_start3A_462, %dma_start3A_463] : memref<4096x200x64xf32, #tpu.memory_space<hbm>> -> memref<1x200x64xf32, #tpu.memory_space<hbm>>
      %dma_start3A_465 = tpu.memref_squeeze %dma_start3A_464 : memref<1x200x64xf32, #tpu.memory_space<hbm>> -> memref<200x64xf32, #tpu.memory_space<hbm>>
      %dma_start3A_466 = arith.constant 600 : i32
      %dma_start3A_467 = arith.constant 0 : i32
      %dma_start3A_468 = tpu.memref_slice %arg6[%dma_start3A_453, %dma_start3A_466, %dma_start3A_467] : memref<2x800x64xf32, #tpu.memory_space<vmem>> -> memref<1x200x64xf32, #tpu.memory_space<vmem>>
      %dma_start3A_469 = tpu.memref_squeeze %dma_start3A_468 : memref<1x200x64xf32, #tpu.memory_space<vmem>> -> memref<200x64xf32, #tpu.memory_space<vmem>>
      tpu.enqueue_dma source(%dma_start3A_469 : memref<200x64xf32, #tpu.memory_space<vmem>>) target(%dma_start3A_465 : memref<200x64xf32, #tpu.memory_space<hbm>>) target_semaphore(%arg8 : memref<!tpu.dma_semaphore, #tpu.memory_space<semaphore_mem>>)
      %dma_wait3A_470 = arith.constant 0 : i32
      %dma_wait3A_471 = arith.constant 0 : i32
      %dma_wait3A_472 = arith.constant 0 : i32
      %dma_wait3A_473 = tpu.memref_slice %arg6[%dma_wait3A_470, %dma_wait3A_471, %dma_wait3A_472] : memref<2x800x64xf32, #tpu.memory_space<vmem>> -> memref<1x200x64xf32, #tpu.memory_space<vmem>>
      %dma_wait3A_474 = tpu.memref_squeeze %dma_wait3A_473 : memref<1x200x64xf32, #tpu.memory_space<vmem>> -> memref<200x64xf32, #tpu.memory_space<vmem>>
      %dma_wait3A_475 = arith.constant 0 : i32
      %dma_wait3A_476 = arith.constant 0 : i32
      %dma_wait3A_477 = tpu.memref_slice %arg4[%mul3A_2, %dma_wait3A_475, %dma_wait3A_476] : memref<4096x200x64xf32, #tpu.memory_space<hbm>> -> memref<1x200x64xf32, #tpu.memory_space<hbm>>
      %dma_wait3A_478 = tpu.memref_squeeze %dma_wait3A_477 : memref<1x200x64xf32, #tpu.memory_space<hbm>> -> memref<200x64xf32, #tpu.memory_space<hbm>>
      %dma_wait3A_479 = arith.constant 0 : i32
      %dma_wait3A_480 = arith.constant 0 : i32
      %dma_wait3A_481 = tpu.memref_slice %arg4[%mul3A_2, %dma_wait3A_479, %dma_wait3A_480] : memref<4096x200x64xf32, #tpu.memory_space<hbm>> -> memref<1x200x64xf32, #tpu.memory_space<hbm>>
      %dma_wait3A_482 = tpu.memref_squeeze %dma_wait3A_481 : memref<1x200x64xf32, #tpu.memory_space<hbm>> -> memref<200x64xf32, #tpu.memory_space<hbm>>
      %dma_wait3A_483 = arith.constant 0 : i32
      %dma_wait3A_484 = arith.constant 0 : i32
      %dma_wait3A_485 = tpu.memref_slice %arg6[%dma_wait3A_470, %dma_wait3A_483, %dma_wait3A_484] : memref<2x800x64xf32, #tpu.memory_space<vmem>> -> memref<1x200x64xf32, #tpu.memory_space<vmem>>
      %dma_wait3A_486 = tpu.memref_squeeze %dma_wait3A_485 : memref<1x200x64xf32, #tpu.memory_space<vmem>> -> memref<200x64xf32, #tpu.memory_space<vmem>>
      tpu.wait_dma2 semaphore(%arg8 : memref<!tpu.dma_semaphore, #tpu.memory_space<semaphore_mem>>) src(%dma_wait3A_486 : memref<200x64xf32, #tpu.memory_space<vmem>>) dst(%dma_wait3A_482 : memref<200x64xf32, #tpu.memory_space<hbm>>)
      %dma_wait3A_487 = arith.constant 0 : i32
      %dma_wait3A_488 = arith.constant 200 : i32
      %dma_wait3A_489 = arith.constant 0 : i32
      %dma_wait3A_490 = tpu.memref_slice %arg6[%dma_wait3A_487, %dma_wait3A_488, %dma_wait3A_489] : memref<2x800x64xf32, #tpu.memory_space<vmem>> -> memref<1x200x64xf32, #tpu.memory_space<vmem>>
      %dma_wait3A_491 = tpu.memref_squeeze %dma_wait3A_490 : memref<1x200x64xf32, #tpu.memory_space<vmem>> -> memref<200x64xf32, #tpu.memory_space<vmem>>
      %dma_wait3A_492 = arith.constant 0 : i32
      %dma_wait3A_493 = arith.constant 0 : i32
      %dma_wait3A_494 = tpu.memref_slice %arg4[%mul3A_2, %dma_wait3A_492, %dma_wait3A_493] : memref<4096x200x64xf32, #tpu.memory_space<hbm>> -> memref<1x200x64xf32, #tpu.memory_space<hbm>>
      %dma_wait3A_495 = tpu.memref_squeeze %dma_wait3A_494 : memref<1x200x64xf32, #tpu.memory_space<hbm>> -> memref<200x64xf32, #tpu.memory_space<hbm>>
      %dma_wait3A_496 = arith.constant 0 : i32
      %dma_wait3A_497 = arith.constant 0 : i32
      %dma_wait3A_498 = tpu.memref_slice %arg4[%mul3A_2, %dma_wait3A_496, %dma_wait3A_497] : memref<4096x200x64xf32, #tpu.memory_space<hbm>> -> memref<1x200x64xf32, #tpu.memory_space<hbm>>
      %dma_wait3A_499 = tpu.memref_squeeze %dma_wait3A_498 : memref<1x200x64xf32, #tpu.memory_space<hbm>> -> memref<200x64xf32, #tpu.memory_space<hbm>>
      %dma_wait3A_500 = arith.constant 200 : i32
      %dma_wait3A_501 = arith.constant 0 : i32
      %dma_wait3A_502 = tpu.memref_slice %arg6[%dma_wait3A_487, %dma_wait3A_500, %dma_wait3A_501] : memref<2x800x64xf32, #tpu.memory_space<vmem>> -> memref<1x200x64xf32, #tpu.memory_space<vmem>>
      %dma_wait3A_503 = tpu.memref_squeeze %dma_wait3A_502 : memref<1x200x64xf32, #tpu.memory_space<vmem>> -> memref<200x64xf32, #tpu.memory_space<vmem>>
      tpu.wait_dma2 semaphore(%arg8 : memref<!tpu.dma_semaphore, #tpu.memory_space<semaphore_mem>>) src(%dma_wait3A_503 : memref<200x64xf32, #tpu.memory_space<vmem>>) dst(%dma_wait3A_499 : memref<200x64xf32, #tpu.memory_space<hbm>>)
      %dma_wait3A_504 = arith.constant 0 : i32
      %dma_wait3A_505 = arith.constant 400 : i32
      %dma_wait3A_506 = arith.constant 0 : i32
      %dma_wait3A_507 = tpu.memref_slice %arg6[%dma_wait3A_504, %dma_wait3A_505, %dma_wait3A_506] : memref<2x800x64xf32, #tpu.memory_space<vmem>> -> memref<1x200x64xf32, #tpu.memory_space<vmem>>
      %dma_wait3A_508 = tpu.memref_squeeze %dma_wait3A_507 : memref<1x200x64xf32, #tpu.memory_space<vmem>> -> memref<200x64xf32, #tpu.memory_space<vmem>>
      %dma_wait3A_509 = arith.constant 0 : i32
      %dma_wait3A_510 = arith.constant 0 : i32
      %dma_wait3A_511 = tpu.memref_slice %arg4[%mul3A_2, %dma_wait3A_509, %dma_wait3A_510] : memref<4096x200x64xf32, #tpu.memory_space<hbm>> -> memref<1x200x64xf32, #tpu.memory_space<hbm>>
      %dma_wait3A_512 = tpu.memref_squeeze %dma_wait3A_511 : memref<1x200x64xf32, #tpu.memory_space<hbm>> -> memref<200x64xf32, #tpu.memory_space<hbm>>
      %dma_wait3A_513 = arith.constant 0 : i32
      %dma_wait3A_514 = arith.constant 0 : i32
      %dma_wait3A_515 = tpu.memref_slice %arg4[%mul3A_2, %dma_wait3A_513, %dma_wait3A_514] : memref<4096x200x64xf32, #tpu.memory_space<hbm>> -> memref<1x200x64xf32, #tpu.memory_space<hbm>>
      %dma_wait3A_516 = tpu.memref_squeeze %dma_wait3A_515 : memref<1x200x64xf32, #tpu.memory_space<hbm>> -> memref<200x64xf32, #tpu.memory_space<hbm>>
      %dma_wait3A_517 = arith.constant 400 : i32
      %dma_wait3A_518 = arith.constant 0 : i32
      %dma_wait3A_519 = tpu.memref_slice %arg6[%dma_wait3A_504, %dma_wait3A_517, %dma_wait3A_518] : memref<2x800x64xf32, #tpu.memory_space<vmem>> -> memref<1x200x64xf32, #tpu.memory_space<vmem>>
      %dma_wait3A_520 = tpu.memref_squeeze %dma_wait3A_519 : memref<1x200x64xf32, #tpu.memory_space<vmem>> -> memref<200x64xf32, #tpu.memory_space<vmem>>
      tpu.wait_dma2 semaphore(%arg8 : memref<!tpu.dma_semaphore, #tpu.memory_space<semaphore_mem>>) src(%dma_wait3A_520 : memref<200x64xf32, #tpu.memory_space<vmem>>) dst(%dma_wait3A_516 : memref<200x64xf32, #tpu.memory_space<hbm>>)
      %dma_wait3A_521 = arith.constant 0 : i32
      %dma_wait3A_522 = arith.constant 600 : i32
      %dma_wait3A_523 = arith.constant 0 : i32
      %dma_wait3A_524 = tpu.memref_slice %arg6[%dma_wait3A_521, %dma_wait3A_522, %dma_wait3A_523] : memref<2x800x64xf32, #tpu.memory_space<vmem>> -> memref<1x200x64xf32, #tpu.memory_space<vmem>>
      %dma_wait3A_525 = tpu.memref_squeeze %dma_wait3A_524 : memref<1x200x64xf32, #tpu.memory_space<vmem>> -> memref<200x64xf32, #tpu.memory_space<vmem>>
      %dma_wait3A_526 = arith.constant 0 : i32
      %dma_wait3A_527 = arith.constant 0 : i32
      %dma_wait3A_528 = tpu.memref_slice %arg4[%mul3A_2, %dma_wait3A_526, %dma_wait3A_527] : memref<4096x200x64xf32, #tpu.memory_space<hbm>> -> memref<1x200x64xf32, #tpu.memory_space<hbm>>
      %dma_wait3A_529 = tpu.memref_squeeze %dma_wait3A_528 : memref<1x200x64xf32, #tpu.memory_space<hbm>> -> memref<200x64xf32, #tpu.memory_space<hbm>>
      %dma_wait3A_530 = arith.constant 0 : i32
      %dma_wait3A_531 = arith.constant 0 : i32
      %dma_wait3A_532 = tpu.memref_slice %arg4[%mul3A_2, %dma_wait3A_530, %dma_wait3A_531] : memref<4096x200x64xf32, #tpu.memory_space<hbm>> -> memref<1x200x64xf32, #tpu.memory_space<hbm>>
      %dma_wait3A_533 = tpu.memref_squeeze %dma_wait3A_532 : memref<1x200x64xf32, #tpu.memory_space<hbm>> -> memref<200x64xf32, #tpu.memory_space<hbm>>
      %dma_wait3A_534 = arith.constant 600 : i32
      %dma_wait3A_535 = arith.constant 0 : i32
      %dma_wait3A_536 = tpu.memref_slice %arg6[%dma_wait3A_521, %dma_wait3A_534, %dma_wait3A_535] : memref<2x800x64xf32, #tpu.memory_space<vmem>> -> memref<1x200x64xf32, #tpu.memory_space<vmem>>
      %dma_wait3A_537 = tpu.memref_squeeze %dma_wait3A_536 : memref<1x200x64xf32, #tpu.memory_space<vmem>> -> memref<200x64xf32, #tpu.memory_space<vmem>>
      tpu.wait_dma2 semaphore(%arg8 : memref<!tpu.dma_semaphore, #tpu.memory_space<semaphore_mem>>) src(%dma_wait3A_537 : memref<200x64xf32, #tpu.memory_space<vmem>>) dst(%dma_wait3A_533 : memref<200x64xf32, #tpu.memory_space<hbm>>)
      %add3A_538 = arith.constant 1 : i32
      %add3A_539 = arith.addi %add3A_366, %add3A_538 : i32
      %mul3A_540 = arith.constant 4 : i32
      %mul3A_541 = arith.muli %add3A_539, %mul3A_540 : i32
      %mul3A_542 = arith.constant 200 : i32
      %mul3A_543 = arith.muli %mul3A_541, %mul3A_542 : i32
      %dma_start3A_544 = arith.constant 0 : i32
      %dma_start3A_545 = arith.constant 0 : i32
      %dma_start3A_546 = arith.constant 0 : i32
      %dma_start3A_547 = tpu.memref_slice %arg6[%dma_start3A_544, %dma_start3A_545, %dma_start3A_546] : memref<2x800x64xf32, #tpu.memory_space<vmem>> -> memref<1x800x64xf32, #tpu.memory_space<vmem>>
      %dma_start3A_548 = tpu.memref_squeeze %dma_start3A_547 : memref<1x800x64xf32, #tpu.memory_space<vmem>> -> memref<800x64xf32, #tpu.memory_space<vmem>>
      %dma_start3A_549 = tpu.memref_slice %arg5[%mul3A_543] : memref<25600xi32, #tpu.memory_space<vmem>> -> memref<800xi32, #tpu.memory_space<vmem>>
      %dma_start3A_550 = arith.constant 0 : i32
      %dma_start3A_551 = arith.constant 0 : i32
      %dma_start3A_552 = tpu.memref_slice %arg3[%dma_start3A_550, %dma_start3A_551] : memref<1000000x64xf32, #tpu.memory_space<hbm>> -> memref<1000000x64xf32, #tpu.memory_space<hbm>>
      tpu.enqueue_indirect_dma source(%dma_start3A_552 : memref<1000000x64xf32, #tpu.memory_space<hbm>>) target(%dma_start3A_548 : memref<800x64xf32, #tpu.memory_space<vmem>>) offsets(%dma_start3A_549 : memref<800xi32, #tpu.memory_space<vmem>>) semaphore(%arg7 : memref<!tpu.dma_semaphore, #tpu.memory_space<semaphore_mem>>)
      %mul3A_553 = arith.constant 2 : i32
      %mul3A_554 = arith.muli %mul3A_553, %scan3A_362 : i32
      %add3A_555 = arith.constant 2 : i32
      %add3A_556 = arith.addi %mul3A_554, %add3A_555 : i32
      %dma_wait3A_557 = arith.constant 0 : i32
      %dma_wait3A_558 = arith.constant 0 : i32
      %dma_wait3A_559 = arith.constant 0 : i32
      %dma_wait3A_560 = tpu.memref_slice %arg6[%dma_wait3A_557, %dma_wait3A_558, %dma_wait3A_559] : memref<2x800x64xf32, #tpu.memory_space<vmem>> -> memref<1x800x64xf32, #tpu.memory_space<vmem>>
      %dma_wait3A_561 = tpu.memref_squeeze %dma_wait3A_560 : memref<1x800x64xf32, #tpu.memory_space<vmem>> -> memref<800x64xf32, #tpu.memory_space<vmem>>
      %dma_wait3A_562 = arith.constant 0 : i32
      %dma_wait3A_563 = arith.constant 0 : i32
      %dma_wait3A_564 = tpu.memref_slice %arg3[%dma_wait3A_562, %dma_wait3A_563] : memref<1000000x64xf32, #tpu.memory_space<hbm>> -> memref<800x64xf32, #tpu.memory_space<hbm>>
      %dma_wait3A_565 = arith.constant 0 : i32
      %dma_wait3A_566 = arith.constant 0 : i32
      %dma_wait3A_567 = tpu.memref_slice %arg6[%dma_wait3A_557, %dma_wait3A_565, %dma_wait3A_566] : memref<2x800x64xf32, #tpu.memory_space<vmem>> -> memref<1x800x64xf32, #tpu.memory_space<vmem>>
      %dma_wait3A_568 = tpu.memref_squeeze %dma_wait3A_567 : memref<1x800x64xf32, #tpu.memory_space<vmem>> -> memref<800x64xf32, #tpu.memory_space<vmem>>
      %dma_wait3A_569 = arith.constant 0 : i32
      %dma_wait3A_570 = arith.constant 0 : i32
      %dma_wait3A_571 = tpu.memref_slice %arg3[%dma_wait3A_569, %dma_wait3A_570] : memref<1000000x64xf32, #tpu.memory_space<hbm>> -> memref<800x64xf32, #tpu.memory_space<hbm>>
      tpu.wait_dma2 semaphore(%arg7 : memref<!tpu.dma_semaphore, #tpu.memory_space<semaphore_mem>>) src(%dma_wait3A_571 : memref<800x64xf32, #tpu.memory_space<hbm>>) dst(%dma_wait3A_568 : memref<800x64xf32, #tpu.memory_space<vmem>>)
      %mul3A_572 = arith.constant 4 : i32
      %mul3A_573 = arith.muli %add3A_556, %mul3A_572 : i32
      %add3A_574 = arith.addi %mul3A_2, %mul3A_573 : i32
      %add3A_575 = arith.constant 0 : i32
      %add3A_576 = arith.addi %add3A_574, %add3A_575 : i32
      %dma_start3A_577 = arith.constant 0 : i32
      %dma_start3A_578 = arith.constant 0 : i32
      %dma_start3A_579 = arith.constant 0 : i32
      %dma_start3A_580 = tpu.memref_slice %arg6[%dma_start3A_577, %dma_start3A_578, %dma_start3A_579] : memref<2x800x64xf32, #tpu.memory_space<vmem>> -> memref<1x200x64xf32, #tpu.memory_space<vmem>>
      %dma_start3A_581 = tpu.memref_squeeze %dma_start3A_580 : memref<1x200x64xf32, #tpu.memory_space<vmem>> -> memref<200x64xf32, #tpu.memory_space<vmem>>
      %dma_start3A_582 = arith.constant 0 : i32
      %dma_start3A_583 = arith.constant 0 : i32
      %dma_start3A_584 = tpu.memref_slice %arg4[%add3A_576, %dma_start3A_582, %dma_start3A_583] : memref<4096x200x64xf32, #tpu.memory_space<hbm>> -> memref<1x200x64xf32, #tpu.memory_space<hbm>>
      %dma_start3A_585 = tpu.memref_squeeze %dma_start3A_584 : memref<1x200x64xf32, #tpu.memory_space<hbm>> -> memref<200x64xf32, #tpu.memory_space<hbm>>
      %dma_start3A_586 = arith.constant 0 : i32
      %dma_start3A_587 = arith.constant 0 : i32
      %dma_start3A_588 = tpu.memref_slice %arg4[%add3A_576, %dma_start3A_586, %dma_start3A_587] : memref<4096x200x64xf32, #tpu.memory_space<hbm>> -> memref<1x200x64xf32, #tpu.memory_space<hbm>>
      %dma_start3A_589 = tpu.memref_squeeze %dma_start3A_588 : memref<1x200x64xf32, #tpu.memory_space<hbm>> -> memref<200x64xf32, #tpu.memory_space<hbm>>
      %dma_start3A_590 = arith.constant 0 : i32
      %dma_start3A_591 = arith.constant 0 : i32
      %dma_start3A_592 = tpu.memref_slice %arg6[%dma_start3A_577, %dma_start3A_590, %dma_start3A_591] : memref<2x800x64xf32, #tpu.memory_space<vmem>> -> memref<1x200x64xf32, #tpu.memory_space<vmem>>
      %dma_start3A_593 = tpu.memref_squeeze %dma_start3A_592 : memref<1x200x64xf32, #tpu.memory_space<vmem>> -> memref<200x64xf32, #tpu.memory_space<vmem>>
      tpu.enqueue_dma source(%dma_start3A_593 : memref<200x64xf32, #tpu.memory_space<vmem>>) target(%dma_start3A_589 : memref<200x64xf32, #tpu.memory_space<hbm>>) target_semaphore(%arg8 : memref<!tpu.dma_semaphore, #tpu.memory_space<semaphore_mem>>)
      %mul3A_594 = arith.constant 4 : i32
      %mul3A_595 = arith.muli %add3A_556, %mul3A_594 : i32
      %add3A_596 = arith.addi %mul3A_2, %mul3A_595 : i32
      %add3A_597 = arith.constant 1 : i32
      %add3A_598 = arith.addi %add3A_596, %add3A_597 : i32
      %dma_start3A_599 = arith.constant 0 : i32
      %dma_start3A_600 = arith.constant 200 : i32
      %dma_start3A_601 = arith.constant 0 : i32
      %dma_start3A_602 = tpu.memref_slice %arg6[%dma_start3A_599, %dma_start3A_600, %dma_start3A_601] : memref<2x800x64xf32, #tpu.memory_space<vmem>> -> memref<1x200x64xf32, #tpu.memory_space<vmem>>
      %dma_start3A_603 = tpu.memref_squeeze %dma_start3A_602 : memref<1x200x64xf32, #tpu.memory_space<vmem>> -> memref<200x64xf32, #tpu.memory_space<vmem>>
      %dma_start3A_604 = arith.constant 0 : i32
      %dma_start3A_605 = arith.constant 0 : i32
      %dma_start3A_606 = tpu.memref_slice %arg4[%add3A_598, %dma_start3A_604, %dma_start3A_605] : memref<4096x200x64xf32, #tpu.memory_space<hbm>> -> memref<1x200x64xf32, #tpu.memory_space<hbm>>
      %dma_start3A_607 = tpu.memref_squeeze %dma_start3A_606 : memref<1x200x64xf32, #tpu.memory_space<hbm>> -> memref<200x64xf32, #tpu.memory_space<hbm>>
      %dma_start3A_608 = arith.constant 0 : i32
      %dma_start3A_609 = arith.constant 0 : i32
      %dma_start3A_610 = tpu.memref_slice %arg4[%add3A_598, %dma_start3A_608, %dma_start3A_609] : memref<4096x200x64xf32, #tpu.memory_space<hbm>> -> memref<1x200x64xf32, #tpu.memory_space<hbm>>
      %dma_start3A_611 = tpu.memref_squeeze %dma_start3A_610 : memref<1x200x64xf32, #tpu.memory_space<hbm>> -> memref<200x64xf32, #tpu.memory_space<hbm>>
      %dma_start3A_612 = arith.constant 200 : i32
      %dma_start3A_613 = arith.constant 0 : i32
      %dma_start3A_614 = tpu.memref_slice %arg6[%dma_start3A_599, %dma_start3A_612, %dma_start3A_613] : memref<2x800x64xf32, #tpu.memory_space<vmem>> -> memref<1x200x64xf32, #tpu.memory_space<vmem>>
      %dma_start3A_615 = tpu.memref_squeeze %dma_start3A_614 : memref<1x200x64xf32, #tpu.memory_space<vmem>> -> memref<200x64xf32, #tpu.memory_space<vmem>>
      tpu.enqueue_dma source(%dma_start3A_615 : memref<200x64xf32, #tpu.memory_space<vmem>>) target(%dma_start3A_611 : memref<200x64xf32, #tpu.memory_space<hbm>>) target_semaphore(%arg8 : memref<!tpu.dma_semaphore, #tpu.memory_space<semaphore_mem>>)
      %mul3A_616 = arith.constant 4 : i32
      %mul3A_617 = arith.muli %add3A_556, %mul3A_616 : i32
      %add3A_618 = arith.addi %mul3A_2, %mul3A_617 : i32
      %add3A_619 = arith.constant 2 : i32
      %add3A_620 = arith.addi %add3A_618, %add3A_619 : i32
      %dma_start3A_621 = arith.constant 0 : i32
      %dma_start3A_622 = arith.constant 400 : i32
      %dma_start3A_623 = arith.constant 0 : i32
      %dma_start3A_624 = tpu.memref_slice %arg6[%dma_start3A_621, %dma_start3A_622, %dma_start3A_623] : memref<2x800x64xf32, #tpu.memory_space<vmem>> -> memref<1x200x64xf32, #tpu.memory_space<vmem>>
      %dma_start3A_625 = tpu.memref_squeeze %dma_start3A_624 : memref<1x200x64xf32, #tpu.memory_space<vmem>> -> memref<200x64xf32, #tpu.memory_space<vmem>>
      %dma_start3A_626 = arith.constant 0 : i32
      %dma_start3A_627 = arith.constant 0 : i32
      %dma_start3A_628 = tpu.memref_slice %arg4[%add3A_620, %dma_start3A_626, %dma_start3A_627] : memref<4096x200x64xf32, #tpu.memory_space<hbm>> -> memref<1x200x64xf32, #tpu.memory_space<hbm>>
      %dma_start3A_629 = tpu.memref_squeeze %dma_start3A_628 : memref<1x200x64xf32, #tpu.memory_space<hbm>> -> memref<200x64xf32, #tpu.memory_space<hbm>>
      %dma_start3A_630 = arith.constant 0 : i32
      %dma_start3A_631 = arith.constant 0 : i32
      %dma_start3A_632 = tpu.memref_slice %arg4[%add3A_620, %dma_start3A_630, %dma_start3A_631] : memref<4096x200x64xf32, #tpu.memory_space<hbm>> -> memref<1x200x64xf32, #tpu.memory_space<hbm>>
      %dma_start3A_633 = tpu.memref_squeeze %dma_start3A_632 : memref<1x200x64xf32, #tpu.memory_space<hbm>> -> memref<200x64xf32, #tpu.memory_space<hbm>>
      %dma_start3A_634 = arith.constant 400 : i32
      %dma_start3A_635 = arith.constant 0 : i32
      %dma_start3A_636 = tpu.memref_slice %arg6[%dma_start3A_621, %dma_start3A_634, %dma_start3A_635] : memref<2x800x64xf32, #tpu.memory_space<vmem>> -> memref<1x200x64xf32, #tpu.memory_space<vmem>>
      %dma_start3A_637 = tpu.memref_squeeze %dma_start3A_636 : memref<1x200x64xf32, #tpu.memory_space<vmem>> -> memref<200x64xf32, #tpu.memory_space<vmem>>
      tpu.enqueue_dma source(%dma_start3A_637 : memref<200x64xf32, #tpu.memory_space<vmem>>) target(%dma_start3A_633 : memref<200x64xf32, #tpu.memory_space<hbm>>) target_semaphore(%arg8 : memref<!tpu.dma_semaphore, #tpu.memory_space<semaphore_mem>>)
      %mul3A_638 = arith.constant 4 : i32
      %mul3A_639 = arith.muli %add3A_556, %mul3A_638 : i32
      %add3A_640 = arith.addi %mul3A_2, %mul3A_639 : i32
      %add3A_641 = arith.constant 3 : i32
      %add3A_642 = arith.addi %add3A_640, %add3A_641 : i32
      %dma_start3A_643 = arith.constant 0 : i32
      %dma_start3A_644 = arith.constant 600 : i32
      %dma_start3A_645 = arith.constant 0 : i32
      %dma_start3A_646 = tpu.memref_slice %arg6[%dma_start3A_643, %dma_start3A_644, %dma_start3A_645] : memref<2x800x64xf32, #tpu.memory_space<vmem>> -> memref<1x200x64xf32, #tpu.memory_space<vmem>>
      %dma_start3A_647 = tpu.memref_squeeze %dma_start3A_646 : memref<1x200x64xf32, #tpu.memory_space<vmem>> -> memref<200x64xf32, #tpu.memory_space<vmem>>
      %dma_start3A_648 = arith.constant 0 : i32
      %dma_start3A_649 = arith.constant 0 : i32
      %dma_start3A_650 = tpu.memref_slice %arg4[%add3A_642, %dma_start3A_648, %dma_start3A_649] : memref<4096x200x64xf32, #tpu.memory_space<hbm>> -> memref<1x200x64xf32, #tpu.memory_space<hbm>>
      %dma_start3A_651 = tpu.memref_squeeze %dma_start3A_650 : memref<1x200x64xf32, #tpu.memory_space<hbm>> -> memref<200x64xf32, #tpu.memory_space<hbm>>
      %dma_start3A_652 = arith.constant 0 : i32
      %dma_start3A_653 = arith.constant 0 : i32
      %dma_start3A_654 = tpu.memref_slice %arg4[%add3A_642, %dma_start3A_652, %dma_start3A_653] : memref<4096x200x64xf32, #tpu.memory_space<hbm>> -> memref<1x200x64xf32, #tpu.memory_space<hbm>>
      %dma_start3A_655 = tpu.memref_squeeze %dma_start3A_654 : memref<1x200x64xf32, #tpu.memory_space<hbm>> -> memref<200x64xf32, #tpu.memory_space<hbm>>
      %dma_start3A_656 = arith.constant 600 : i32
      %dma_start3A_657 = arith.constant 0 : i32
      %dma_start3A_658 = tpu.memref_slice %arg6[%dma_start3A_643, %dma_start3A_656, %dma_start3A_657] : memref<2x800x64xf32, #tpu.memory_space<vmem>> -> memref<1x200x64xf32, #tpu.memory_space<vmem>>
      %dma_start3A_659 = tpu.memref_squeeze %dma_start3A_658 : memref<1x200x64xf32, #tpu.memory_space<vmem>> -> memref<200x64xf32, #tpu.memory_space<vmem>>
      tpu.enqueue_dma source(%dma_start3A_659 : memref<200x64xf32, #tpu.memory_space<vmem>>) target(%dma_start3A_655 : memref<200x64xf32, #tpu.memory_space<hbm>>) target_semaphore(%arg8 : memref<!tpu.dma_semaphore, #tpu.memory_space<semaphore_mem>>)
      %dma_wait3A_660 = arith.constant 1 : i32
      %dma_wait3A_661 = arith.constant 0 : i32
      %dma_wait3A_662 = arith.constant 0 : i32
      %dma_wait3A_663 = tpu.memref_slice %arg6[%dma_wait3A_660, %dma_wait3A_661, %dma_wait3A_662] : memref<2x800x64xf32, #tpu.memory_space<vmem>> -> memref<1x200x64xf32, #tpu.memory_space<vmem>>
      %dma_wait3A_664 = tpu.memref_squeeze %dma_wait3A_663 : memref<1x200x64xf32, #tpu.memory_space<vmem>> -> memref<200x64xf32, #tpu.memory_space<vmem>>
      %dma_wait3A_665 = arith.constant 0 : i32
      %dma_wait3A_666 = arith.constant 0 : i32
      %dma_wait3A_667 = tpu.memref_slice %arg4[%mul3A_2, %dma_wait3A_665, %dma_wait3A_666] : memref<4096x200x64xf32, #tpu.memory_space<hbm>> -> memref<1x200x64xf32, #tpu.memory_space<hbm>>
      %dma_wait3A_668 = tpu.memref_squeeze %dma_wait3A_667 : memref<1x200x64xf32, #tpu.memory_space<hbm>> -> memref<200x64xf32, #tpu.memory_space<hbm>>
      %dma_wait3A_669 = arith.constant 0 : i32
      %dma_wait3A_670 = arith.constant 0 : i32
      %dma_wait3A_671 = tpu.memref_slice %arg4[%mul3A_2, %dma_wait3A_669, %dma_wait3A_670] : memref<4096x200x64xf32, #tpu.memory_space<hbm>> -> memref<1x200x64xf32, #tpu.memory_space<hbm>>
      %dma_wait3A_672 = tpu.memref_squeeze %dma_wait3A_671 : memref<1x200x64xf32, #tpu.memory_space<hbm>> -> memref<200x64xf32, #tpu.memory_space<hbm>>
      %dma_wait3A_673 = arith.constant 0 : i32
      %dma_wait3A_674 = arith.constant 0 : i32
      %dma_wait3A_675 = tpu.memref_slice %arg6[%dma_wait3A_660, %dma_wait3A_673, %dma_wait3A_674] : memref<2x800x64xf32, #tpu.memory_space<vmem>> -> memref<1x200x64xf32, #tpu.memory_space<vmem>>
      %dma_wait3A_676 = tpu.memref_squeeze %dma_wait3A_675 : memref<1x200x64xf32, #tpu.memory_space<vmem>> -> memref<200x64xf32, #tpu.memory_space<vmem>>
      tpu.wait_dma2 semaphore(%arg8 : memref<!tpu.dma_semaphore, #tpu.memory_space<semaphore_mem>>) src(%dma_wait3A_676 : memref<200x64xf32, #tpu.memory_space<vmem>>) dst(%dma_wait3A_672 : memref<200x64xf32, #tpu.memory_space<hbm>>)
      %dma_wait3A_677 = arith.constant 1 : i32
      %dma_wait3A_678 = arith.constant 200 : i32
      %dma_wait3A_679 = arith.constant 0 : i32
      %dma_wait3A_680 = tpu.memref_slice %arg6[%dma_wait3A_677, %dma_wait3A_678, %dma_wait3A_679] : memref<2x800x64xf32, #tpu.memory_space<vmem>> -> memref<1x200x64xf32, #tpu.memory_space<vmem>>
      %dma_wait3A_681 = tpu.memref_squeeze %dma_wait3A_680 : memref<1x200x64xf32, #tpu.memory_space<vmem>> -> memref<200x64xf32, #tpu.memory_space<vmem>>
      %dma_wait3A_682 = arith.constant 0 : i32
      %dma_wait3A_683 = arith.constant 0 : i32
      %dma_wait3A_684 = tpu.memref_slice %arg4[%mul3A_2, %dma_wait3A_682, %dma_wait3A_683] : memref<4096x200x64xf32, #tpu.memory_space<hbm>> -> memref<1x200x64xf32, #tpu.memory_space<hbm>>
      %dma_wait3A_685 = tpu.memref_squeeze %dma_wait3A_684 : memref<1x200x64xf32, #tpu.memory_space<hbm>> -> memref<200x64xf32, #tpu.memory_space<hbm>>
      %dma_wait3A_686 = arith.constant 0 : i32
      %dma_wait3A_687 = arith.constant 0 : i32
      %dma_wait3A_688 = tpu.memref_slice %arg4[%mul3A_2, %dma_wait3A_686, %dma_wait3A_687] : memref<4096x200x64xf32, #tpu.memory_space<hbm>> -> memref<1x200x64xf32, #tpu.memory_space<hbm>>
      %dma_wait3A_689 = tpu.memref_squeeze %dma_wait3A_688 : memref<1x200x64xf32, #tpu.memory_space<hbm>> -> memref<200x64xf32, #tpu.memory_space<hbm>>
      %dma_wait3A_690 = arith.constant 200 : i32
      %dma_wait3A_691 = arith.constant 0 : i32
      %dma_wait3A_692 = tpu.memref_slice %arg6[%dma_wait3A_677, %dma_wait3A_690, %dma_wait3A_691] : memref<2x800x64xf32, #tpu.memory_space<vmem>> -> memref<1x200x64xf32, #tpu.memory_space<vmem>>
      %dma_wait3A_693 = tpu.memref_squeeze %dma_wait3A_692 : memref<1x200x64xf32, #tpu.memory_space<vmem>> -> memref<200x64xf32, #tpu.memory_space<vmem>>
      tpu.wait_dma2 semaphore(%arg8 : memref<!tpu.dma_semaphore, #tpu.memory_space<semaphore_mem>>) src(%dma_wait3A_693 : memref<200x64xf32, #tpu.memory_space<vmem>>) dst(%dma_wait3A_689 : memref<200x64xf32, #tpu.memory_space<hbm>>)
      %dma_wait3A_694 = arith.constant 1 : i32
      %dma_wait3A_695 = arith.constant 400 : i32
      %dma_wait3A_696 = arith.constant 0 : i32
      %dma_wait3A_697 = tpu.memref_slice %arg6[%dma_wait3A_694, %dma_wait3A_695, %dma_wait3A_696] : memref<2x800x64xf32, #tpu.memory_space<vmem>> -> memref<1x200x64xf32, #tpu.memory_space<vmem>>
      %dma_wait3A_698 = tpu.memref_squeeze %dma_wait3A_697 : memref<1x200x64xf32, #tpu.memory_space<vmem>> -> memref<200x64xf32, #tpu.memory_space<vmem>>
      %dma_wait3A_699 = arith.constant 0 : i32
      %dma_wait3A_700 = arith.constant 0 : i32
      %dma_wait3A_701 = tpu.memref_slice %arg4[%mul3A_2, %dma_wait3A_699, %dma_wait3A_700] : memref<4096x200x64xf32, #tpu.memory_space<hbm>> -> memref<1x200x64xf32, #tpu.memory_space<hbm>>
      %dma_wait3A_702 = tpu.memref_squeeze %dma_wait3A_701 : memref<1x200x64xf32, #tpu.memory_space<hbm>> -> memref<200x64xf32, #tpu.memory_space<hbm>>
      %dma_wait3A_703 = arith.constant 0 : i32
      %dma_wait3A_704 = arith.constant 0 : i32
      %dma_wait3A_705 = tpu.memref_slice %arg4[%mul3A_2, %dma_wait3A_703, %dma_wait3A_704] : memref<4096x200x64xf32, #tpu.memory_space<hbm>> -> memref<1x200x64xf32, #tpu.memory_space<hbm>>
      %dma_wait3A_706 = tpu.memref_squeeze %dma_wait3A_705 : memref<1x200x64xf32, #tpu.memory_space<hbm>> -> memref<200x64xf32, #tpu.memory_space<hbm>>
      %dma_wait3A_707 = arith.constant 400 : i32
      %dma_wait3A_708 = arith.constant 0 : i32
      %dma_wait3A_709 = tpu.memref_slice %arg6[%dma_wait3A_694, %dma_wait3A_707, %dma_wait3A_708] : memref<2x800x64xf32, #tpu.memory_space<vmem>> -> memref<1x200x64xf32, #tpu.memory_space<vmem>>
      %dma_wait3A_710 = tpu.memref_squeeze %dma_wait3A_709 : memref<1x200x64xf32, #tpu.memory_space<vmem>> -> memref<200x64xf32, #tpu.memory_space<vmem>>
      tpu.wait_dma2 semaphore(%arg8 : memref<!tpu.dma_semaphore, #tpu.memory_space<semaphore_mem>>) src(%dma_wait3A_710 : memref<200x64xf32, #tpu.memory_space<vmem>>) dst(%dma_wait3A_706 : memref<200x64xf32, #tpu.memory_space<hbm>>)
      %dma_wait3A_711 = arith.constant 1 : i32
      %dma_wait3A_712 = arith.constant 600 : i32
      %dma_wait3A_713 = arith.constant 0 : i32
      %dma_wait3A_714 = tpu.memref_slice %arg6[%dma_wait3A_711, %dma_wait3A_712, %dma_wait3A_713] : memref<2x800x64xf32, #tpu.memory_space<vmem>> -> memref<1x200x64xf32, #tpu.memory_space<vmem>>
      %dma_wait3A_715 = tpu.memref_squeeze %dma_wait3A_714 : memref<1x200x64xf32, #tpu.memory_space<vmem>> -> memref<200x64xf32, #tpu.memory_space<vmem>>
      %dma_wait3A_716 = arith.constant 0 : i32
      %dma_wait3A_717 = arith.constant 0 : i32
      %dma_wait3A_718 = tpu.memref_slice %arg4[%mul3A_2, %dma_wait3A_716, %dma_wait3A_717] : memref<4096x200x64xf32, #tpu.memory_space<hbm>> -> memref<1x200x64xf32, #tpu.memory_space<hbm>>
      %dma_wait3A_719 = tpu.memref_squeeze %dma_wait3A_718 : memref<1x200x64xf32, #tpu.memory_space<hbm>> -> memref<200x64xf32, #tpu.memory_space<hbm>>
      %dma_wait3A_720 = arith.constant 0 : i32
      %dma_wait3A_721 = arith.constant 0 : i32
      %dma_wait3A_722 = tpu.memref_slice %arg4[%mul3A_2, %dma_wait3A_720, %dma_wait3A_721] : memref<4096x200x64xf32, #tpu.memory_space<hbm>> -> memref<1x200x64xf32, #tpu.memory_space<hbm>>
      %dma_wait3A_723 = tpu.memref_squeeze %dma_wait3A_722 : memref<1x200x64xf32, #tpu.memory_space<hbm>> -> memref<200x64xf32, #tpu.memory_space<hbm>>
      %dma_wait3A_724 = arith.constant 600 : i32
      %dma_wait3A_725 = arith.constant 0 : i32
      %dma_wait3A_726 = tpu.memref_slice %arg6[%dma_wait3A_711, %dma_wait3A_724, %dma_wait3A_725] : memref<2x800x64xf32, #tpu.memory_space<vmem>> -> memref<1x200x64xf32, #tpu.memory_space<vmem>>
      %dma_wait3A_727 = tpu.memref_squeeze %dma_wait3A_726 : memref<1x200x64xf32, #tpu.memory_space<vmem>> -> memref<200x64xf32, #tpu.memory_space<vmem>>
      tpu.wait_dma2 semaphore(%arg8 : memref<!tpu.dma_semaphore, #tpu.memory_space<semaphore_mem>>) src(%dma_wait3A_727 : memref<200x64xf32, #tpu.memory_space<vmem>>) dst(%dma_wait3A_723 : memref<200x64xf32, #tpu.memory_space<hbm>>)
      %add3A_728 = arith.constant 1 : i32
      %add3A_729 = arith.addi %add3A_556, %add3A_728 : i32
      %mul3A_730 = arith.constant 4 : i32
      %mul3A_731 = arith.muli %add3A_729, %mul3A_730 : i32
      %mul3A_732 = arith.constant 200 : i32
      %mul3A_733 = arith.muli %mul3A_731, %mul3A_732 : i32
      %dma_start3A_734 = arith.constant 1 : i32
      %dma_start3A_735 = arith.constant 0 : i32
      %dma_start3A_736 = arith.constant 0 : i32
      %dma_start3A_737 = tpu.memref_slice %arg6[%dma_start3A_734, %dma_start3A_735, %dma_start3A_736] : memref<2x800x64xf32, #tpu.memory_space<vmem>> -> memref<1x800x64xf32, #tpu.memory_space<vmem>>
      %dma_start3A_738 = tpu.memref_squeeze %dma_start3A_737 : memref<1x800x64xf32, #tpu.memory_space<vmem>> -> memref<800x64xf32, #tpu.memory_space<vmem>>
      %dma_start3A_739 = tpu.memref_slice %arg5[%mul3A_733] : memref<25600xi32, #tpu.memory_space<vmem>> -> memref<800xi32, #tpu.memory_space<vmem>>
      %dma_start3A_740 = arith.constant 0 : i32
      %dma_start3A_741 = arith.constant 0 : i32
      %dma_start3A_742 = tpu.memref_slice %arg3[%dma_start3A_740, %dma_start3A_741] : memref<1000000x64xf32, #tpu.memory_space<hbm>> -> memref<1000000x64xf32, #tpu.memory_space<hbm>>
      tpu.enqueue_indirect_dma source(%dma_start3A_742 : memref<1000000x64xf32, #tpu.memory_space<hbm>>) target(%dma_start3A_738 : memref<800x64xf32, #tpu.memory_space<vmem>>) offsets(%dma_start3A_739 : memref<800xi32, #tpu.memory_space<vmem>>) semaphore(%arg7 : memref<!tpu.dma_semaphore, #tpu.memory_space<semaphore_mem>>)
    }
    %scan3A_126 = arith.constant 15 : i32
    %dma_wait3A_127 = arith.constant 1 : i32
    %dma_wait3A_128 = arith.constant 0 : i32
    %dma_wait3A_129 = arith.constant 0 : i32
    %dma_wait3A_130 = tpu.memref_slice %arg6[%dma_wait3A_127, %dma_wait3A_128, %dma_wait3A_129] : memref<2x800x64xf32, #tpu.memory_space<vmem>> -> memref<1x800x64xf32, #tpu.memory_space<vmem>>
    %dma_wait3A_131 = tpu.memref_squeeze %dma_wait3A_130 : memref<1x800x64xf32, #tpu.memory_space<vmem>> -> memref<800x64xf32, #tpu.memory_space<vmem>>
    %dma_wait3A_132 = arith.constant 0 : i32
    %dma_wait3A_133 = arith.constant 0 : i32
    %dma_wait3A_134 = tpu.memref_slice %arg3[%dma_wait3A_132, %dma_wait3A_133] : memref<1000000x64xf32, #tpu.memory_space<hbm>> -> memref<800x64xf32, #tpu.memory_space<hbm>>
    %dma_wait3A_135 = arith.constant 0 : i32
    %dma_wait3A_136 = arith.constant 0 : i32
    %dma_wait3A_137 = tpu.memref_slice %arg6[%dma_wait3A_127, %dma_wait3A_135, %dma_wait3A_136] : memref<2x800x64xf32, #tpu.memory_space<vmem>> -> memref<1x800x64xf32, #tpu.memory_space<vmem>>
    %dma_wait3A_138 = tpu.memref_squeeze %dma_wait3A_137 : memref<1x800x64xf32, #tpu.memory_space<vmem>> -> memref<800x64xf32, #tpu.memory_space<vmem>>
    %dma_wait3A_139 = arith.constant 0 : i32
    %dma_wait3A_140 = arith.constant 0 : i32
    %dma_wait3A_141 = tpu.memref_slice %arg3[%dma_wait3A_139, %dma_wait3A_140] : memref<1000000x64xf32, #tpu.memory_space<hbm>> -> memref<800x64xf32, #tpu.memory_space<hbm>>
    tpu.wait_dma2 semaphore(%arg7 : memref<!tpu.dma_semaphore, #tpu.memory_space<semaphore_mem>>) src(%dma_wait3A_141 : memref<800x64xf32, #tpu.memory_space<hbm>>) dst(%dma_wait3A_138 : memref<800x64xf32, #tpu.memory_space<vmem>>)
    %add3A_142 = arith.constant 124 : i32
    %add3A_143 = arith.addi %mul3A_2, %add3A_142 : i32
    %add3A_144 = arith.constant 0 : i32
    %add3A_145 = arith.addi %add3A_143, %add3A_144 : i32
    %dma_start3A_146 = arith.constant 1 : i32
    %dma_start3A_147 = arith.constant 0 : i32
    %dma_start3A_148 = arith.constant 0 : i32
    %dma_start3A_149 = tpu.memref_slice %arg6[%dma_start3A_146, %dma_start3A_147, %dma_start3A_148] : memref<2x800x64xf32, #tpu.memory_space<vmem>> -> memref<1x200x64xf32, #tpu.memory_space<vmem>>
    %dma_start3A_150 = tpu.memref_squeeze %dma_start3A_149 : memref<1x200x64xf32, #tpu.memory_space<vmem>> -> memref<200x64xf32, #tpu.memory_space<vmem>>
    %dma_start3A_151 = arith.constant 0 : i32
    %dma_start3A_152 = arith.constant 0 : i32
    %dma_start3A_153 = tpu.memref_slice %arg4[%add3A_145, %dma_start3A_151, %dma_start3A_152] : memref<4096x200x64xf32, #tpu.memory_space<hbm>> -> memref<1x200x64xf32, #tpu.memory_space<hbm>>
    %dma_start3A_154 = tpu.memref_squeeze %dma_start3A_153 : memref<1x200x64xf32, #tpu.memory_space<hbm>> -> memref<200x64xf32, #tpu.memory_space<hbm>>
    %dma_start3A_155 = arith.constant 0 : i32
    %dma_start3A_156 = arith.constant 0 : i32
    %dma_start3A_157 = tpu.memref_slice %arg4[%add3A_145, %dma_start3A_155, %dma_start3A_156] : memref<4096x200x64xf32, #tpu.memory_space<hbm>> -> memref<1x200x64xf32, #tpu.memory_space<hbm>>
    %dma_start3A_158 = tpu.memref_squeeze %dma_start3A_157 : memref<1x200x64xf32, #tpu.memory_space<hbm>> -> memref<200x64xf32, #tpu.memory_space<hbm>>
    %dma_start3A_159 = arith.constant 0 : i32
    %dma_start3A_160 = arith.constant 0 : i32
    %dma_start3A_161 = tpu.memref_slice %arg6[%dma_start3A_146, %dma_start3A_159, %dma_start3A_160] : memref<2x800x64xf32, #tpu.memory_space<vmem>> -> memref<1x200x64xf32, #tpu.memory_space<vmem>>
    %dma_start3A_162 = tpu.memref_squeeze %dma_start3A_161 : memref<1x200x64xf32, #tpu.memory_space<vmem>> -> memref<200x64xf32, #tpu.memory_space<vmem>>
    tpu.enqueue_dma source(%dma_start3A_162 : memref<200x64xf32, #tpu.memory_space<vmem>>) target(%dma_start3A_158 : memref<200x64xf32, #tpu.memory_space<hbm>>) target_semaphore(%arg8 : memref<!tpu.dma_semaphore, #tpu.memory_space<semaphore_mem>>)
    %add3A_163 = arith.constant 124 : i32
    %add3A_164 = arith.addi %mul3A_2, %add3A_163 : i32
    %add3A_165 = arith.constant 1 : i32
    %add3A_166 = arith.addi %add3A_164, %add3A_165 : i32
    %dma_start3A_167 = arith.constant 1 : i32
    %dma_start3A_168 = arith.constant 200 : i32
    %dma_start3A_169 = arith.constant 0 : i32
    %dma_start3A_170 = tpu.memref_slice %arg6[%dma_start3A_167, %dma_start3A_168, %dma_start3A_169] : memref<2x800x64xf32, #tpu.memory_space<vmem>> -> memref<1x200x64xf32, #tpu.memory_space<vmem>>
    %dma_start3A_171 = tpu.memref_squeeze %dma_start3A_170 : memref<1x200x64xf32, #tpu.memory_space<vmem>> -> memref<200x64xf32, #tpu.memory_space<vmem>>
    %dma_start3A_172 = arith.constant 0 : i32
    %dma_start3A_173 = arith.constant 0 : i32
    %dma_start3A_174 = tpu.memref_slice %arg4[%add3A_166, %dma_start3A_172, %dma_start3A_173] : memref<4096x200x64xf32, #tpu.memory_space<hbm>> -> memref<1x200x64xf32, #tpu.memory_space<hbm>>
    %dma_start3A_175 = tpu.memref_squeeze %dma_start3A_174 : memref<1x200x64xf32, #tpu.memory_space<hbm>> -> memref<200x64xf32, #tpu.memory_space<hbm>>
    %dma_start3A_176 = arith.constant 0 : i32
    %dma_start3A_177 = arith.constant 0 : i32
    %dma_start3A_178 = tpu.memref_slice %arg4[%add3A_166, %dma_start3A_176, %dma_start3A_177] : memref<4096x200x64xf32, #tpu.memory_space<hbm>> -> memref<1x200x64xf32, #tpu.memory_space<hbm>>
    %dma_start3A_179 = tpu.memref_squeeze %dma_start3A_178 : memref<1x200x64xf32, #tpu.memory_space<hbm>> -> memref<200x64xf32, #tpu.memory_space<hbm>>
    %dma_start3A_180 = arith.constant 200 : i32
    %dma_start3A_181 = arith.constant 0 : i32
    %dma_start3A_182 = tpu.memref_slice %arg6[%dma_start3A_167, %dma_start3A_180, %dma_start3A_181] : memref<2x800x64xf32, #tpu.memory_space<vmem>> -> memref<1x200x64xf32, #tpu.memory_space<vmem>>
    %dma_start3A_183 = tpu.memref_squeeze %dma_start3A_182 : memref<1x200x64xf32, #tpu.memory_space<vmem>> -> memref<200x64xf32, #tpu.memory_space<vmem>>
    tpu.enqueue_dma source(%dma_start3A_183 : memref<200x64xf32, #tpu.memory_space<vmem>>) target(%dma_start3A_179 : memref<200x64xf32, #tpu.memory_space<hbm>>) target_semaphore(%arg8 : memref<!tpu.dma_semaphore, #tpu.memory_space<semaphore_mem>>)
    %add3A_184 = arith.constant 124 : i32
    %add3A_185 = arith.addi %mul3A_2, %add3A_184 : i32
    %add3A_186 = arith.constant 2 : i32
    %add3A_187 = arith.addi %add3A_185, %add3A_186 : i32
    %dma_start3A_188 = arith.constant 1 : i32
    %dma_start3A_189 = arith.constant 400 : i32
    %dma_start3A_190 = arith.constant 0 : i32
    %dma_start3A_191 = tpu.memref_slice %arg6[%dma_start3A_188, %dma_start3A_189, %dma_start3A_190] : memref<2x800x64xf32, #tpu.memory_space<vmem>> -> memref<1x200x64xf32, #tpu.memory_space<vmem>>
    %dma_start3A_192 = tpu.memref_squeeze %dma_start3A_191 : memref<1x200x64xf32, #tpu.memory_space<vmem>> -> memref<200x64xf32, #tpu.memory_space<vmem>>
    %dma_start3A_193 = arith.constant 0 : i32
    %dma_start3A_194 = arith.constant 0 : i32
    %dma_start3A_195 = tpu.memref_slice %arg4[%add3A_187, %dma_start3A_193, %dma_start3A_194] : memref<4096x200x64xf32, #tpu.memory_space<hbm>> -> memref<1x200x64xf32, #tpu.memory_space<hbm>>
    %dma_start3A_196 = tpu.memref_squeeze %dma_start3A_195 : memref<1x200x64xf32, #tpu.memory_space<hbm>> -> memref<200x64xf32, #tpu.memory_space<hbm>>
    %dma_start3A_197 = arith.constant 0 : i32
    %dma_start3A_198 = arith.constant 0 : i32
    %dma_start3A_199 = tpu.memref_slice %arg4[%add3A_187, %dma_start3A_197, %dma_start3A_198] : memref<4096x200x64xf32, #tpu.memory_space<hbm>> -> memref<1x200x64xf32, #tpu.memory_space<hbm>>
    %dma_start3A_200 = tpu.memref_squeeze %dma_start3A_199 : memref<1x200x64xf32, #tpu.memory_space<hbm>> -> memref<200x64xf32, #tpu.memory_space<hbm>>
    %dma_start3A_201 = arith.constant 400 : i32
    %dma_start3A_202 = arith.constant 0 : i32
    %dma_start3A_203 = tpu.memref_slice %arg6[%dma_start3A_188, %dma_start3A_201, %dma_start3A_202] : memref<2x800x64xf32, #tpu.memory_space<vmem>> -> memref<1x200x64xf32, #tpu.memory_space<vmem>>
    %dma_start3A_204 = tpu.memref_squeeze %dma_start3A_203 : memref<1x200x64xf32, #tpu.memory_space<vmem>> -> memref<200x64xf32, #tpu.memory_space<vmem>>
    tpu.enqueue_dma source(%dma_start3A_204 : memref<200x64xf32, #tpu.memory_space<vmem>>) target(%dma_start3A_200 : memref<200x64xf32, #tpu.memory_space<hbm>>) target_semaphore(%arg8 : memref<!tpu.dma_semaphore, #tpu.memory_space<semaphore_mem>>)
    %add3A_205 = arith.constant 124 : i32
    %add3A_206 = arith.addi %mul3A_2, %add3A_205 : i32
    %add3A_207 = arith.constant 3 : i32
    %add3A_208 = arith.addi %add3A_206, %add3A_207 : i32
    %dma_start3A_209 = arith.constant 1 : i32
    %dma_start3A_210 = arith.constant 600 : i32
    %dma_start3A_211 = arith.constant 0 : i32
    %dma_start3A_212 = tpu.memref_slice %arg6[%dma_start3A_209, %dma_start3A_210, %dma_start3A_211] : memref<2x800x64xf32, #tpu.memory_space<vmem>> -> memref<1x200x64xf32, #tpu.memory_space<vmem>>
    %dma_start3A_213 = tpu.memref_squeeze %dma_start3A_212 : memref<1x200x64xf32, #tpu.memory_space<vmem>> -> memref<200x64xf32, #tpu.memory_space<vmem>>
    %dma_start3A_214 = arith.constant 0 : i32
    %dma_start3A_215 = arith.constant 0 : i32
    %dma_start3A_216 = tpu.memref_slice %arg4[%add3A_208, %dma_start3A_214, %dma_start3A_215] : memref<4096x200x64xf32, #tpu.memory_space<hbm>> -> memref<1x200x64xf32, #tpu.memory_space<hbm>>
    %dma_start3A_217 = tpu.memref_squeeze %dma_start3A_216 : memref<1x200x64xf32, #tpu.memory_space<hbm>> -> memref<200x64xf32, #tpu.memory_space<hbm>>
    %dma_start3A_218 = arith.constant 0 : i32
    %dma_start3A_219 = arith.constant 0 : i32
    %dma_start3A_220 = tpu.memref_slice %arg4[%add3A_208, %dma_start3A_218, %dma_start3A_219] : memref<4096x200x64xf32, #tpu.memory_space<hbm>> -> memref<1x200x64xf32, #tpu.memory_space<hbm>>
    %dma_start3A_221 = tpu.memref_squeeze %dma_start3A_220 : memref<1x200x64xf32, #tpu.memory_space<hbm>> -> memref<200x64xf32, #tpu.memory_space<hbm>>
    %dma_start3A_222 = arith.constant 600 : i32
    %dma_start3A_223 = arith.constant 0 : i32
    %dma_start3A_224 = tpu.memref_slice %arg6[%dma_start3A_209, %dma_start3A_222, %dma_start3A_223] : memref<2x800x64xf32, #tpu.memory_space<vmem>> -> memref<1x200x64xf32, #tpu.memory_space<vmem>>
    %dma_start3A_225 = tpu.memref_squeeze %dma_start3A_224 : memref<1x200x64xf32, #tpu.memory_space<vmem>> -> memref<200x64xf32, #tpu.memory_space<vmem>>
    tpu.enqueue_dma source(%dma_start3A_225 : memref<200x64xf32, #tpu.memory_space<vmem>>) target(%dma_start3A_221 : memref<200x64xf32, #tpu.memory_space<hbm>>) target_semaphore(%arg8 : memref<!tpu.dma_semaphore, #tpu.memory_space<semaphore_mem>>)
    %dma_wait3A_226 = arith.constant 0 : i32
    %dma_wait3A_227 = arith.constant 0 : i32
    %dma_wait3A_228 = arith.constant 0 : i32
    %dma_wait3A_229 = tpu.memref_slice %arg6[%dma_wait3A_226, %dma_wait3A_227, %dma_wait3A_228] : memref<2x800x64xf32, #tpu.memory_space<vmem>> -> memref<1x200x64xf32, #tpu.memory_space<vmem>>
    %dma_wait3A_230 = tpu.memref_squeeze %dma_wait3A_229 : memref<1x200x64xf32, #tpu.memory_space<vmem>> -> memref<200x64xf32, #tpu.memory_space<vmem>>
    %dma_wait3A_231 = arith.constant 0 : i32
    %dma_wait3A_232 = arith.constant 0 : i32
    %dma_wait3A_233 = tpu.memref_slice %arg4[%mul3A_2, %dma_wait3A_231, %dma_wait3A_232] : memref<4096x200x64xf32, #tpu.memory_space<hbm>> -> memref<1x200x64xf32, #tpu.memory_space<hbm>>
    %dma_wait3A_234 = tpu.memref_squeeze %dma_wait3A_233 : memref<1x200x64xf32, #tpu.memory_space<hbm>> -> memref<200x64xf32, #tpu.memory_space<hbm>>
    %dma_wait3A_235 = arith.constant 0 : i32
    %dma_wait3A_236 = arith.constant 0 : i32
    %dma_wait3A_237 = tpu.memref_slice %arg4[%mul3A_2, %dma_wait3A_235, %dma_wait3A_236] : memref<4096x200x64xf32, #tpu.memory_space<hbm>> -> memref<1x200x64xf32, #tpu.memory_space<hbm>>
    %dma_wait3A_238 = tpu.memref_squeeze %dma_wait3A_237 : memref<1x200x64xf32, #tpu.memory_space<hbm>> -> memref<200x64xf32, #tpu.memory_space<hbm>>
    %dma_wait3A_239 = arith.constant 0 : i32
    %dma_wait3A_240 = arith.constant 0 : i32
    %dma_wait3A_241 = tpu.memref_slice %arg6[%dma_wait3A_226, %dma_wait3A_239, %dma_wait3A_240] : memref<2x800x64xf32, #tpu.memory_space<vmem>> -> memref<1x200x64xf32, #tpu.memory_space<vmem>>
    %dma_wait3A_242 = tpu.memref_squeeze %dma_wait3A_241 : memref<1x200x64xf32, #tpu.memory_space<vmem>> -> memref<200x64xf32, #tpu.memory_space<vmem>>
    tpu.wait_dma2 semaphore(%arg8 : memref<!tpu.dma_semaphore, #tpu.memory_space<semaphore_mem>>) src(%dma_wait3A_242 : memref<200x64xf32, #tpu.memory_space<vmem>>) dst(%dma_wait3A_238 : memref<200x64xf32, #tpu.memory_space<hbm>>)
    %dma_wait3A_243 = arith.constant 0 : i32
    %dma_wait3A_244 = arith.constant 200 : i32
    %dma_wait3A_245 = arith.constant 0 : i32
    %dma_wait3A_246 = tpu.memref_slice %arg6[%dma_wait3A_243, %dma_wait3A_244, %dma_wait3A_245] : memref<2x800x64xf32, #tpu.memory_space<vmem>> -> memref<1x200x64xf32, #tpu.memory_space<vmem>>
    %dma_wait3A_247 = tpu.memref_squeeze %dma_wait3A_246 : memref<1x200x64xf32, #tpu.memory_space<vmem>> -> memref<200x64xf32, #tpu.memory_space<vmem>>
    %dma_wait3A_248 = arith.constant 0 : i32
    %dma_wait3A_249 = arith.constant 0 : i32
    %dma_wait3A_250 = tpu.memref_slice %arg4[%mul3A_2, %dma_wait3A_248, %dma_wait3A_249] : memref<4096x200x64xf32, #tpu.memory_space<hbm>> -> memref<1x200x64xf32, #tpu.memory_space<hbm>>
    %dma_wait3A_251 = tpu.memref_squeeze %dma_wait3A_250 : memref<1x200x64xf32, #tpu.memory_space<hbm>> -> memref<200x64xf32, #tpu.memory_space<hbm>>
    %dma_wait3A_252 = arith.constant 0 : i32
    %dma_wait3A_253 = arith.constant 0 : i32
    %dma_wait3A_254 = tpu.memref_slice %arg4[%mul3A_2, %dma_wait3A_252, %dma_wait3A_253] : memref<4096x200x64xf32, #tpu.memory_space<hbm>> -> memref<1x200x64xf32, #tpu.memory_space<hbm>>
    %dma_wait3A_255 = tpu.memref_squeeze %dma_wait3A_254 : memref<1x200x64xf32, #tpu.memory_space<hbm>> -> memref<200x64xf32, #tpu.memory_space<hbm>>
    %dma_wait3A_256 = arith.constant 200 : i32
    %dma_wait3A_257 = arith.constant 0 : i32
    %dma_wait3A_258 = tpu.memref_slice %arg6[%dma_wait3A_243, %dma_wait3A_256, %dma_wait3A_257] : memref<2x800x64xf32, #tpu.memory_space<vmem>> -> memref<1x200x64xf32, #tpu.memory_space<vmem>>
    %dma_wait3A_259 = tpu.memref_squeeze %dma_wait3A_258 : memref<1x200x64xf32, #tpu.memory_space<vmem>> -> memref<200x64xf32, #tpu.memory_space<vmem>>
    tpu.wait_dma2 semaphore(%arg8 : memref<!tpu.dma_semaphore, #tpu.memory_space<semaphore_mem>>) src(%dma_wait3A_259 : memref<200x64xf32, #tpu.memory_space<vmem>>) dst(%dma_wait3A_255 : memref<200x64xf32, #tpu.memory_space<hbm>>)
    %dma_wait3A_260 = arith.constant 0 : i32
    %dma_wait3A_261 = arith.constant 400 : i32
    %dma_wait3A_262 = arith.constant 0 : i32
    %dma_wait3A_263 = tpu.memref_slice %arg6[%dma_wait3A_260, %dma_wait3A_261, %dma_wait3A_262] : memref<2x800x64xf32, #tpu.memory_space<vmem>> -> memref<1x200x64xf32, #tpu.memory_space<vmem>>
    %dma_wait3A_264 = tpu.memref_squeeze %dma_wait3A_263 : memref<1x200x64xf32, #tpu.memory_space<vmem>> -> memref<200x64xf32, #tpu.memory_space<vmem>>
    %dma_wait3A_265 = arith.constant 0 : i32
    %dma_wait3A_266 = arith.constant 0 : i32
    %dma_wait3A_267 = tpu.memref_slice %arg4[%mul3A_2, %dma_wait3A_265, %dma_wait3A_266] : memref<4096x200x64xf32, #tpu.memory_space<hbm>> -> memref<1x200x64xf32, #tpu.memory_space<hbm>>
    %dma_wait3A_268 = tpu.memref_squeeze %dma_wait3A_267 : memref<1x200x64xf32, #tpu.memory_space<hbm>> -> memref<200x64xf32, #tpu.memory_space<hbm>>
    %dma_wait3A_269 = arith.constant 0 : i32
    %dma_wait3A_270 = arith.constant 0 : i32
    %dma_wait3A_271 = tpu.memref_slice %arg4[%mul3A_2, %dma_wait3A_269, %dma_wait3A_270] : memref<4096x200x64xf32, #tpu.memory_space<hbm>> -> memref<1x200x64xf32, #tpu.memory_space<hbm>>
    %dma_wait3A_272 = tpu.memref_squeeze %dma_wait3A_271 : memref<1x200x64xf32, #tpu.memory_space<hbm>> -> memref<200x64xf32, #tpu.memory_space<hbm>>
    %dma_wait3A_273 = arith.constant 400 : i32
    %dma_wait3A_274 = arith.constant 0 : i32
    %dma_wait3A_275 = tpu.memref_slice %arg6[%dma_wait3A_260, %dma_wait3A_273, %dma_wait3A_274] : memref<2x800x64xf32, #tpu.memory_space<vmem>> -> memref<1x200x64xf32, #tpu.memory_space<vmem>>
    %dma_wait3A_276 = tpu.memref_squeeze %dma_wait3A_275 : memref<1x200x64xf32, #tpu.memory_space<vmem>> -> memref<200x64xf32, #tpu.memory_space<vmem>>
    tpu.wait_dma2 semaphore(%arg8 : memref<!tpu.dma_semaphore, #tpu.memory_space<semaphore_mem>>) src(%dma_wait3A_276 : memref<200x64xf32, #tpu.memory_space<vmem>>) dst(%dma_wait3A_272 : memref<200x64xf32, #tpu.memory_space<hbm>>)
    %dma_wait3A_277 = arith.constant 0 : i32
    %dma_wait3A_278 = arith.constant 600 : i32
    %dma_wait3A_279 = arith.constant 0 : i32
    %dma_wait3A_280 = tpu.memref_slice %arg6[%dma_wait3A_277, %dma_wait3A_278, %dma_wait3A_279] : memref<2x800x64xf32, #tpu.memory_space<vmem>> -> memref<1x200x64xf32, #tpu.memory_space<vmem>>
    %dma_wait3A_281 = tpu.memref_squeeze %dma_wait3A_280 : memref<1x200x64xf32, #tpu.memory_space<vmem>> -> memref<200x64xf32, #tpu.memory_space<vmem>>
    %dma_wait3A_282 = arith.constant 0 : i32
    %dma_wait3A_283 = arith.constant 0 : i32
    %dma_wait3A_284 = tpu.memref_slice %arg4[%mul3A_2, %dma_wait3A_282, %dma_wait3A_283] : memref<4096x200x64xf32, #tpu.memory_space<hbm>> -> memref<1x200x64xf32, #tpu.memory_space<hbm>>
    %dma_wait3A_285 = tpu.memref_squeeze %dma_wait3A_284 : memref<1x200x64xf32, #tpu.memory_space<hbm>> -> memref<200x64xf32, #tpu.memory_space<hbm>>
    %dma_wait3A_286 = arith.constant 0 : i32
    %dma_wait3A_287 = arith.constant 0 : i32
    %dma_wait3A_288 = tpu.memref_slice %arg4[%mul3A_2, %dma_wait3A_286, %dma_wait3A_287] : memref<4096x200x64xf32, #tpu.memory_space<hbm>> -> memref<1x200x64xf32, #tpu.memory_space<hbm>>
    %dma_wait3A_289 = tpu.memref_squeeze %dma_wait3A_288 : memref<1x200x64xf32, #tpu.memory_space<hbm>> -> memref<200x64xf32, #tpu.memory_space<hbm>>
    %dma_wait3A_290 = arith.constant 600 : i32
    %dma_wait3A_291 = arith.constant 0 : i32
    %dma_wait3A_292 = tpu.memref_slice %arg6[%dma_wait3A_277, %dma_wait3A_290, %dma_wait3A_291] : memref<2x800x64xf32, #tpu.memory_space<vmem>> -> memref<1x200x64xf32, #tpu.memory_space<vmem>>
    %dma_wait3A_293 = tpu.memref_squeeze %dma_wait3A_292 : memref<1x200x64xf32, #tpu.memory_space<vmem>> -> memref<200x64xf32, #tpu.memory_space<vmem>>
    tpu.wait_dma2 semaphore(%arg8 : memref<!tpu.dma_semaphore, #tpu.memory_space<semaphore_mem>>) src(%dma_wait3A_293 : memref<200x64xf32, #tpu.memory_space<vmem>>) dst(%dma_wait3A_289 : memref<200x64xf32, #tpu.memory_space<hbm>>)
    %dma_wait3A_294 = arith.constant 1 : i32
    %dma_wait3A_295 = arith.constant 0 : i32
    %dma_wait3A_296 = arith.constant 0 : i32
    %dma_wait3A_297 = tpu.memref_slice %arg6[%dma_wait3A_294, %dma_wait3A_295, %dma_wait3A_296] : memref<2x800x64xf32, #tpu.memory_space<vmem>> -> memref<1x200x64xf32, #tpu.memory_space<vmem>>
    %dma_wait3A_298 = tpu.memref_squeeze %dma_wait3A_297 : memref<1x200x64xf32, #tpu.memory_space<vmem>> -> memref<200x64xf32, #tpu.memory_space<vmem>>
    %dma_wait3A_299 = arith.constant 0 : i32
    %dma_wait3A_300 = arith.constant 0 : i32
    %dma_wait3A_301 = tpu.memref_slice %arg4[%mul3A_2, %dma_wait3A_299, %dma_wait3A_300] : memref<4096x200x64xf32, #tpu.memory_space<hbm>> -> memref<1x200x64xf32, #tpu.memory_space<hbm>>
    %dma_wait3A_302 = tpu.memref_squeeze %dma_wait3A_301 : memref<1x200x64xf32, #tpu.memory_space<hbm>> -> memref<200x64xf32, #tpu.memory_space<hbm>>
    %dma_wait3A_303 = arith.constant 0 : i32
    %dma_wait3A_304 = arith.constant 0 : i32
    %dma_wait3A_305 = tpu.memref_slice %arg4[%mul3A_2, %dma_wait3A_303, %dma_wait3A_304] : memref<4096x200x64xf32, #tpu.memory_space<hbm>> -> memref<1x200x64xf32, #tpu.memory_space<hbm>>
    %dma_wait3A_306 = tpu.memref_squeeze %dma_wait3A_305 : memref<1x200x64xf32, #tpu.memory_space<hbm>> -> memref<200x64xf32, #tpu.memory_space<hbm>>
    %dma_wait3A_307 = arith.constant 0 : i32
    %dma_wait3A_308 = arith.constant 0 : i32
    %dma_wait3A_309 = tpu.memref_slice %arg6[%dma_wait3A_294, %dma_wait3A_307, %dma_wait3A_308] : memref<2x800x64xf32, #tpu.memory_space<vmem>> -> memref<1x200x64xf32, #tpu.memory_space<vmem>>
    %dma_wait3A_310 = tpu.memref_squeeze %dma_wait3A_309 : memref<1x200x64xf32, #tpu.memory_space<vmem>> -> memref<200x64xf32, #tpu.memory_space<vmem>>
    tpu.wait_dma2 semaphore(%arg8 : memref<!tpu.dma_semaphore, #tpu.memory_space<semaphore_mem>>) src(%dma_wait3A_310 : memref<200x64xf32, #tpu.memory_space<vmem>>) dst(%dma_wait3A_306 : memref<200x64xf32, #tpu.memory_space<hbm>>)
    %dma_wait3A_311 = arith.constant 1 : i32
    %dma_wait3A_312 = arith.constant 200 : i32
    %dma_wait3A_313 = arith.constant 0 : i32
    %dma_wait3A_314 = tpu.memref_slice %arg6[%dma_wait3A_311, %dma_wait3A_312, %dma_wait3A_313] : memref<2x800x64xf32, #tpu.memory_space<vmem>> -> memref<1x200x64xf32, #tpu.memory_space<vmem>>
    %dma_wait3A_315 = tpu.memref_squeeze %dma_wait3A_314 : memref<1x200x64xf32, #tpu.memory_space<vmem>> -> memref<200x64xf32, #tpu.memory_space<vmem>>
    %dma_wait3A_316 = arith.constant 0 : i32
    %dma_wait3A_317 = arith.constant 0 : i32
    %dma_wait3A_318 = tpu.memref_slice %arg4[%mul3A_2, %dma_wait3A_316, %dma_wait3A_317] : memref<4096x200x64xf32, #tpu.memory_space<hbm>> -> memref<1x200x64xf32, #tpu.memory_space<hbm>>
    %dma_wait3A_319 = tpu.memref_squeeze %dma_wait3A_318 : memref<1x200x64xf32, #tpu.memory_space<hbm>> -> memref<200x64xf32, #tpu.memory_space<hbm>>
    %dma_wait3A_320 = arith.constant 0 : i32
    %dma_wait3A_321 = arith.constant 0 : i32
    %dma_wait3A_322 = tpu.memref_slice %arg4[%mul3A_2, %dma_wait3A_320, %dma_wait3A_321] : memref<4096x200x64xf32, #tpu.memory_space<hbm>> -> memref<1x200x64xf32, #tpu.memory_space<hbm>>
    %dma_wait3A_323 = tpu.memref_squeeze %dma_wait3A_322 : memref<1x200x64xf32, #tpu.memory_space<hbm>> -> memref<200x64xf32, #tpu.memory_space<hbm>>
    %dma_wait3A_324 = arith.constant 200 : i32
    %dma_wait3A_325 = arith.constant 0 : i32
    %dma_wait3A_326 = tpu.memref_slice %arg6[%dma_wait3A_311, %dma_wait3A_324, %dma_wait3A_325] : memref<2x800x64xf32, #tpu.memory_space<vmem>> -> memref<1x200x64xf32, #tpu.memory_space<vmem>>
    %dma_wait3A_327 = tpu.memref_squeeze %dma_wait3A_326 : memref<1x200x64xf32, #tpu.memory_space<vmem>> -> memref<200x64xf32, #tpu.memory_space<vmem>>
    tpu.wait_dma2 semaphore(%arg8 : memref<!tpu.dma_semaphore, #tpu.memory_space<semaphore_mem>>) src(%dma_wait3A_327 : memref<200x64xf32, #tpu.memory_space<vmem>>) dst(%dma_wait3A_323 : memref<200x64xf32, #tpu.memory_space<hbm>>)
    %dma_wait3A_328 = arith.constant 1 : i32
    %dma_wait3A_329 = arith.constant 400 : i32
    %dma_wait3A_330 = arith.constant 0 : i32
    %dma_wait3A_331 = tpu.memref_slice %arg6[%dma_wait3A_328, %dma_wait3A_329, %dma_wait3A_330] : memref<2x800x64xf32, #tpu.memory_space<vmem>> -> memref<1x200x64xf32, #tpu.memory_space<vmem>>
    %dma_wait3A_332 = tpu.memref_squeeze %dma_wait3A_331 : memref<1x200x64xf32, #tpu.memory_space<vmem>> -> memref<200x64xf32, #tpu.memory_space<vmem>>
    %dma_wait3A_333 = arith.constant 0 : i32
    %dma_wait3A_334 = arith.constant 0 : i32
    %dma_wait3A_335 = tpu.memref_slice %arg4[%mul3A_2, %dma_wait3A_333, %dma_wait3A_334] : memref<4096x200x64xf32, #tpu.memory_space<hbm>> -> memref<1x200x64xf32, #tpu.memory_space<hbm>>
    %dma_wait3A_336 = tpu.memref_squeeze %dma_wait3A_335 : memref<1x200x64xf32, #tpu.memory_space<hbm>> -> memref<200x64xf32, #tpu.memory_space<hbm>>
    %dma_wait3A_337 = arith.constant 0 : i32
    %dma_wait3A_338 = arith.constant 0 : i32
    %dma_wait3A_339 = tpu.memref_slice %arg4[%mul3A_2, %dma_wait3A_337, %dma_wait3A_338] : memref<4096x200x64xf32, #tpu.memory_space<hbm>> -> memref<1x200x64xf32, #tpu.memory_space<hbm>>
    %dma_wait3A_340 = tpu.memref_squeeze %dma_wait3A_339 : memref<1x200x64xf32, #tpu.memory_space<hbm>> -> memref<200x64xf32, #tpu.memory_space<hbm>>
    %dma_wait3A_341 = arith.constant 400 : i32
    %dma_wait3A_342 = arith.constant 0 : i32
    %dma_wait3A_343 = tpu.memref_slice %arg6[%dma_wait3A_328, %dma_wait3A_341, %dma_wait3A_342] : memref<2x800x64xf32, #tpu.memory_space<vmem>> -> memref<1x200x64xf32, #tpu.memory_space<vmem>>
    %dma_wait3A_344 = tpu.memref_squeeze %dma_wait3A_343 : memref<1x200x64xf32, #tpu.memory_space<vmem>> -> memref<200x64xf32, #tpu.memory_space<vmem>>
    tpu.wait_dma2 semaphore(%arg8 : memref<!tpu.dma_semaphore, #tpu.memory_space<semaphore_mem>>) src(%dma_wait3A_344 : memref<200x64xf32, #tpu.memory_space<vmem>>) dst(%dma_wait3A_340 : memref<200x64xf32, #tpu.memory_space<hbm>>)
    %dma_wait3A_345 = arith.constant 1 : i32
    %dma_wait3A_346 = arith.constant 600 : i32
    %dma_wait3A_347 = arith.constant 0 : i32
    %dma_wait3A_348 = tpu.memref_slice %arg6[%dma_wait3A_345, %dma_wait3A_346, %dma_wait3A_347] : memref<2x800x64xf32, #tpu.memory_space<vmem>> -> memref<1x200x64xf32, #tpu.memory_space<vmem>>
    %dma_wait3A_349 = tpu.memref_squeeze %dma_wait3A_348 : memref<1x200x64xf32, #tpu.memory_space<vmem>> -> memref<200x64xf32, #tpu.memory_space<vmem>>
    %dma_wait3A_350 = arith.constant 0 : i32
    %dma_wait3A_351 = arith.constant 0 : i32
    %dma_wait3A_352 = tpu.memref_slice %arg4[%mul3A_2, %dma_wait3A_350, %dma_wait3A_351] : memref<4096x200x64xf32, #tpu.memory_space<hbm>> -> memref<1x200x64xf32, #tpu.memory_space<hbm>>
    %dma_wait3A_353 = tpu.memref_squeeze %dma_wait3A_352 : memref<1x200x64xf32, #tpu.memory_space<hbm>> -> memref<200x64xf32, #tpu.memory_space<hbm>>
    %dma_wait3A_354 = arith.constant 0 : i32
    %dma_wait3A_355 = arith.constant 0 : i32
    %dma_wait3A_356 = tpu.memref_slice %arg4[%mul3A_2, %dma_wait3A_354, %dma_wait3A_355] : memref<4096x200x64xf32, #tpu.memory_space<hbm>> -> memref<1x200x64xf32, #tpu.memory_space<hbm>>
    %dma_wait3A_357 = tpu.memref_squeeze %dma_wait3A_356 : memref<1x200x64xf32, #tpu.memory_space<hbm>> -> memref<200x64xf32, #tpu.memory_space<hbm>>
    %dma_wait3A_358 = arith.constant 600 : i32
    %dma_wait3A_359 = arith.constant 0 : i32
    %dma_wait3A_360 = tpu.memref_slice %arg6[%dma_wait3A_345, %dma_wait3A_358, %dma_wait3A_359] : memref<2x800x64xf32, #tpu.memory_space<vmem>> -> memref<1x200x64xf32, #tpu.memory_space<vmem>>
    %dma_wait3A_361 = tpu.memref_squeeze %dma_wait3A_360 : memref<1x200x64xf32, #tpu.memory_space<vmem>> -> memref<200x64xf32, #tpu.memory_space<vmem>>
    tpu.wait_dma2 semaphore(%arg8 : memref<!tpu.dma_semaphore, #tpu.memory_space<semaphore_mem>>) src(%dma_wait3A_361 : memref<200x64xf32, #tpu.memory_space<vmem>>) dst(%dma_wait3A_357 : memref<200x64xf32, #tpu.memory_space<hbm>>)
    return
  }
}

</mosaic_0001>

<sc_bundles>
// kernel: kernel.3.cloned.1.call-start
scs
__scs_entry_jumppad:
0x0: {  	(pc) =	sbr.rel $0x88, $3  }
0x1: {  	(tag) =	ssettag $0x0;
	lr =	simm.s32 $0x1  }
0x2: {  	[smem:$0x3F9F] =	sst lr;
	_ =	strace $0xD0000000  }
0x3: {  	_ = 	snop  }
0x4: {  	_ = 	snop  }
0x5: {  	_ = 	snop  }
0x6: {  	_ = 	snop  }
0x7: {  	_ = 	snop  }
__scs_overlays_trampoline_lowered:
0x8: {  	[smem:$0x3FAE] =	sst s0  }
0x9: {  	[smem:$0x3FAF] =	sst s1  }
0xa: {  	[smem:$0x3FB0] =	sst s2  }
0xb: {  	[smem:$0x3FB1] =	sst s3  }
0xc: {  	[smem:$0x3FB2] =	sst s4  }
0xd: {  	[smem:$0x3FB3] =	sst s5  }
0xe: {  	[smem:$0x3FB4] =	sst s6  }
0xf: {  	[smem:$0x3FB5] =	sst s7  }
0x10: {  	[smem:$0x3FB6] =	sst s8  }
0x11: {  	[smem:$0x3FB7] =	sst s9;
	s0 =	simm.s32 @!p0 $0x0  }
0x12: {  	s1 =	sld [smem:$0x3F9D];
	s0 =	simm.s32 @p0 $0x1  }
0x13: {  	[smem:$0x3FB8] =	sst s0;
	s0 =	simm.s32 @!p1 $0x0  }
0x14: {  	s2 =	sld [smem:$0x3F9C];
	s0 =	simm.s32 @p1 $0x1  }
0x15: {  	[smem:$0x3FB9] =	sst s0;
	s0 =	simm.s32 @!p2 $0x0  }
0x16: {  	s3 =	sld [smem:$0x3FDB];
	s0 =	simm.s32 @p2 $0x1  }
0x17: {  	s4 =	simm.s32 $0x1BF5;
	[smem:$0x3FBB] =	sst s0  }
0x18: {  	s0 =	sld [smem:$0x3F9E];
	_ =	swait.ge [sflag:s4], $0x0  }
0x19: {  	s7 =	sld [smem:$0x3F9F]  }
0x1a: {  	s8 =	sadd.s32 $0xFFFFE003, lr  }
0x1b: {  	s9 =	sadd.s32 $0xFFFFFEF7, lr;
	s5 =	simm.s32 $0xFFFFFFFF;
	p2 =	slt.u32 s8, $0xFFFFF086  }
0x1c: {  	p1 =	slt.u32 s9, $0xF7A;
	s5 =	simm.s32 @!p2 $0x0  }
0x1d: {  	s5 =	simm.s32 @p1 $0x1;
	p0 =	seq.s32 s7, s2  }
0x1e: {  	s7 =	smul.u32 @!p0 $0xF7A, s2;
	p2 =	seq.s32 @!p0 s5, $0x0  }
0x1f: {  	s9 =	smul.u32 $0xF7A, s1;
	s8 =	simm.s32 @!p0 $0x1BF5;
	p2 =	por !p2, p0  }
0x20: {  	[sflag:s8] =	ssyncset.s32 @!p0 $0xFFFFF086;
	s6 =	sadd.s32 @!p0 s3, s7;
	s7 =	simm.s32 @!p0 $0x108  }
0x21: {  	s3 =	sadd.s32 s3, s9;
	s6 =	sadd.s32 @!p0 $0x88, s6;
	s7 =	simm.s32 @p2 $0x1082  }
0x22: {  	[simem:s7], [sflag:s8] =	dma.local @!p0 [hbm:s6], $0xF7A  }
0x23: {  	s9 =	sor.u32 $0xD0000000, s2;
	s6 =	simm.s32 $0x108;
	_ =	swait.ge @!p0 [sflag:s8], $0x0  }
0x24: {  	s3 =	sadd.s32 $0x88, s3;
	s6 =	simm.s32 @!p1 $0x1082;
	[sflag:s4] =	ssyncset.s32 $0xFFFFF086  }
0x25: {  	[simem:s6], [sflag:s4] =	dma.local [hbm:s3], $0xF7A  }
0x26: {  	[smem:$0x3F9F] =	sst s1;
	(tag) =	ssettag s2;
	_ =	strace s9  }
0x27: {  	s1 =	sld [smem:$0x3FAF]  }
0x28: {  	s2 =	sld [smem:$0x3FB0]  }
0x29: {  	s4 =	sld [smem:$0x3FB2]  }
0x2a: {  	p0 =	seq.s32 s5, $0x0;
	s5 =	sld [smem:$0x3FB3]  }
0x2b: {  	s6 =	sld [smem:$0x3FB4]  }
0x2c: {  	s7 =	sld [smem:$0x3FB5]  }
0x2d: {  	s3 =	simm.s32 $0x108;
	s8 =	sld [smem:$0x3FB6]  }
0x2e: {  	s3 =	simm.s32 @!p0 $0x1082;
	s9 =	sld [smem:$0x3FB7]  }
0x2f: {  	lr =	sadd.s32 s0, s3;
	s0 =	sld [smem:$0x3FAE]  }
0x30: {  	s3 =	sld [smem:$0x3FB1]  }
0x31: {  	[smem:$0x3FBA] =	sst s10  }
0x32: {  	s10 =	sld [smem:$0x3FB8];
	_ =	sdelay $0x3  }
0x33: {  	p0 =	seq.s32 s10, $0x1;
	s10 =	sld [smem:$0x3FBA];
	_ =	sdelay $0x3  }
0x34: {  	[smem:$0x3FBA] =	sst s10  }
0x35: {  	s10 =	sld [smem:$0x3FB9];
	_ =	sdelay $0x3  }
0x36: {  	p1 =	seq.s32 s10, $0x1;
	s10 =	sld [smem:$0x3FBA];
	_ =	sdelay $0x3  }
0x37: {  	[smem:$0x3FBA] =	sst s10  }
0x38: {  	s10 =	sld [smem:$0x3FBB]  }
0x39: {  	_ = 	snop;
	(pc) =	sbr.ind lr, $3  }
0x3a: {  	_ = 	snop  }
0x3b: {  	_ = 	snop  }
0x3c: {  	p2 =	seq.s32 s10, $0x1;
	s10 =	sld [smem:$0x3FBA]  }
0x3d: {  	_ =	shalt  }
0x3e: {  	_ =	shalt  }
0x3f: {  	_ =	shalt  }
0x40: {  	_ =	shalt  }
0x41: {  	_ =	shalt  }
0x42: {  	_ =	shalt  }
0x43: {  	_ =	shalt  }
0x44: {  	_ =	shalt  }
0x45: {  	_ =	shalt  }
0x46: {  	_ =	shalt  }
0x47: {  	_ =	shalt  }
0x48: {  	_ =	shalt  }
0x49: {  	_ =	shalt  }
0x4a: {  	_ =	shalt  }
0x4b: {  	_ =	shalt  }
0x4c: {  	_ =	shalt  }
0x4d: {  	_ =	shalt  }
0x4e: {  	_ =	shalt  }
0x4f: {  	_ =	shalt  }
0x50: {  	_ =	shalt  }
0x51: {  	_ =	shalt  }
0x52: {  	_ =	shalt  }
0x53: {  	_ =	shalt  }
0x54: {  	_ =	shalt  }
0x55: {  	_ =	shalt  }
0x56: {  	_ =	shalt  }
0x57: {  	_ =	shalt  }
0x58: {  	_ =	shalt  }
0x59: {  	_ =	shalt  }
0x5a: {  	_ =	shalt  }
0x5b: {  	_ =	shalt  }
0x5c: {  	_ =	shalt  }
0x5d: {  	_ =	shalt  }
0x5e: {  	_ =	shalt  }
0x5f: {  	_ =	shalt  }
0x60: {  	_ =	shalt  }
0x61: {  	_ =	shalt  }
0x62: {  	_ =	shalt  }
0x63: {  	_ =	shalt  }
0x64: {  	_ =	shalt  }
0x65: {  	_ =	shalt  }
0x66: {  	_ =	shalt  }
0x67: {  	_ =	shalt  }
0x68: {  	_ =	shalt  }
0x69: {  	_ =	shalt  }
0x6a: {  	_ =	shalt  }
0x6b: {  	_ =	shalt  }
0x6c: {  	_ =	shalt  }
0x6d: {  	_ =	shalt  }
0x6e: {  	_ =	shalt  }
0x6f: {  	_ =	shalt  }
0x70: {  	_ =	shalt  }
0x71: {  	_ =	shalt  }
0x72: {  	_ =	shalt  }
0x73: {  	_ =	shalt  }
0x74: {  	_ =	shalt  }
0x75: {  	_ =	shalt  }
0x76: {  	_ =	shalt  }
0x77: {  	_ =	shalt  }
0x78: {  	_ =	shalt  }
0x79: {  	_ =	shalt  }
0x7a: {  	_ =	shalt  }
0x7b: {  	_ =	shalt  }
0x7c: {  	_ =	shalt  }
0x7d: {  	_ =	shalt  }
0x7e: {  	_ =	shalt  }
0x7f: {  	_ =	shalt  }
0x80: {  	_ =	shalt  }
0x81: {  	_ =	shalt  }
0x82: {  	_ =	shalt  }
0x83: {  	_ =	shalt  }
0x84: {  	_ =	shalt  }
0x85: {  	_ =	shalt  }
0x86: {  	_ =	shalt  }
0x87: {  	_ =	shalt  }
.Lfunc_end0:
.L_simem_size_0:
called_computation.1_lowered:
.L_overlay_start_0:
0x88: {  	s2 =	sld [smem:$0x3FD9]  }
0x89: {  	s3 =	sld [smem:$0x3FFE];
	_ =	sdelay $0x1  }
0x8a: {  	s1 =	srdreg.scid  }
0x8b: {  	s0 =	sand.u32 $0x1, s1  }
0x8c: {  	s17 =	sshll.u32 s0, $0xA;
	s2 =	sadd.s32 s3, s2  }
0x8d: {  	s2 =	sadd.s32 s2, s17  }
0x8e: {  	[smem:$0x3FC6] =	sst s2  }
0x8f: {  	_ = 	snop  }
0x90: {  	s2 =	sld [smem:$0x3FD0];
	(tm) =	ssettm $0x1  }
0x91: {  	s18 =	sld [smem:$0x3FFB];
	_ =	sdelay $0x3  }
0x92: {  	_ =	strace s18  }
0x93: {  	s3 =	sld [smem:$0x3FFC];
	_ =	sdelay $0x3  }
0x94: {  	_ =	strace s3  }
0x95: {  	s3 =	sld [smem:$0x3FFD];
	_ =	sdelay $0x3  }
0x96: {  	_ =	strace s3  }
0x97: {  	_ =	strace $0x8FFFFFFF  }
0x98: {  	s19 =	sld [smem:$0x3FDB];
	_ =	sdelay $0x1  }
0x99: {  	s4 =	simm.s32 $_scs_section_size  }
0x9a: {  	s5 =	simm.s32 $_size__tile_overlayer_lowered;
	s6 =	simm.s32 $_tile_overlayer_lowered  }
0x9b: {  	s22 =	simm.s32 $0x1BFF;
	s21 =	sshll.u32 s6, $0x1;
	s3 =	sadd.s32 s4, s19  }
0x9c: {  	s7 =	simm.s32 $0x0;
	s20 =	sshll.u32 s5, $0x1;
	s5 =	sadd.s32 s21, s3  }
0x9d: {  	[timem:s7], [sflag:s22] =	dma.local [hbm:s5], s20  }
0x9e: {  	_ =	swait.ge [sflag:s22], s20  }
0x9f: {  	s4 =	ssub.s32 $0x0, s20;
	[sflag:s22] =	ssyncset.done $0x0  }
0xa0: {  	[sflag:s22] =	ssyncadd.s32 s4;
	_ =	sdelay $0x1  }
0xa1: {  	s23 =	simm.s32 $0x1B8B  }
0xa2: {  	_ =	swait.ge [sflag:s23], $0x1  }
0xa3: {  	[sflag:s23] =	ssyncset.done $0x0  }
0xa4: {  	s25 =	simm.s32 $0x1B8E;
	s24 =	sld [smem:$0x3FFE];
	[sflag:s23] =	ssyncadd.s32 $0xFFFFFFFF  }
0xa5: {  	s26 =	simm.s32 $execute0_lowered;
	[smem:$0x3FD2] =	sst s25  }
0xa6: {  	s5 =	sshll.u32 s26, $0x1;
	_ =	strace $0x80000046;
	[dreg:$0x1] =	wrdreg $0xFFFFFFFF  }
0xa7: {  	s28 =	simm.s32 $_size_execute0_lowered;
	s3 =	sadd.s32 s3, s5;
	[dreg:$0x0] =	wrdreg $0x0  }
0xa8: {  	s5 =	sshll.u32 s28, $0x1;
	[dreg:$0x2] =	wrdreg s3  }
0xa9: {  	[dreg:$0x3] =	wrdreg s5  }
0xaa: {  	[dreg:$0x4] =	wrdreg $0xC0  }
0xab: {  	_ =	task [dreg:s7], $0x5FFFF  }
0xac: {  	[dreg:$0x1] =	wrdreg $0xFFFFFFFF  }
0xad: {  	[dreg:$0x0] =	wrdreg $0x60  }
0xae: {  	[dreg:$0x2] =	wrdreg s24  }
0xaf: {  	[dreg:$0x3] =	wrdreg s2  }
0xb0: {  	[dreg:$0x4] =	wrdreg $0x9  }
0xb1: {  	_ =	task.clear_ibuf [dreg:s7], $0x5FFFF;
	_ =	strace $0x90000046  }
0xb2: {  	s29 =	simm.s32 $0x9;
	_ =	strace $0x80000048  }
0xb3: {  	_ =	swait.ge [sflag:s29], $0x1  }
0xb4: {  	[sflag:s29] =	ssyncadd.s32 $0xFFFFFFFF  }
0xb5: {  	_ =	strace $0x90000048  }
0xb6: {  	_ =	sfence  }
0xb7: {  	s30 =	sld [smem:$0x0];
	_ =	sdelay $0x2  }
0xb8: {  	s31 =	sshll.u32 s1, $0xD;
	s1 =	sshrl.u32 s1, $0x2  }
0xb9: {  	s3 =	sand.u32 $0x4000, s31;
	s1 =	sadd.s32 s1, s30  }
0xba: {  	s0 =	sor.u32 s3, s0;
	s1 =	sshll.u32 s1, $0x11  }
0xbb: {  	s0 =	sor.u32 s1, s0  }
0xbc: {  	s0 =	sadd.s32 $0x8F2B, s0  }
0xbd: {  	[sflag:s0] =	ssyncadd.remote.s32 $0x1  }
0xbe: {  	_ =	sfence.sel $0xFFFF  }
0xbf: {  	[dreg:$0x0] =	wrdreg $0xFFFFFFFF;
	(pc) =	sbr.abs _section_cstart, $3  }
0xc0: {  	[dreg:$0x1] =	wrdreg $0xFFFFFFFF  }
0xc1: {  	_ =	task.clear_ibuf [dreg:s7], $0x2FFFF;
	_ =	strace $0x9FFFFFFF  }
0xc2: {  	(tm) =	ssettm $0x7FFFFFFF  }
0xc3: {  	_ =	shalt  }
tec
execute0_lowered:
.L_overlay_start_1:
0x0: {  	(tag) =	ssettag $0x1  }
0x1: {  	s0 =	rddreg [dreg:$0x0]  }
0x2: {  	s1 =	srdreg.scid;
	s10 =	stileid.u32  }
0x3: {  	s4 =	rddreg [dreg:$0x1];
	s2 =	simm.s32 $0x0;
	s28 =	simm.s32 $0xFA00  }
0x4: {  	s29 =	simm.s32 $0x15E00;
	s1 =	sand.u32 $0x1, s1;
	s12 =	smul.u32 $0x64000, s10  }
0x5: {  	s30 =	simm.s32 $0x19000;
	s3 =	sshll.u32 s10, $0x1;
	s14 =	smul.u32 $0x32000, s1  }
0x6: {  	s5 =	sor.u32 s1, s3;
	s6 =	ssub.s32 $0x2, s1;
	s1 =	smul.u32 $0x190000, s1  }
0x7: {  	s31 =	simm.s32 $0x1C200;
	[smem:$0x7FF] =	sst s2;
	s3 =	smul.u32 $0xC80, s5  }
0x8: {  	_ =	strace $0x80000047;
	s8 =	sshrl.u32 s6, $0x1;
	s9 =	smul.u32 $0x32000, s5  }
0x9: {  	s26 =	smul.u32 $0x190000, s5;
	s25 =	ssub.s32 s6, s8;
	s7 =	sadd.s32 s3, s0  }
0xa: {  	s3 =	sadd.s32 $0xF42E00, s0;
	s5 =	sadd.s32 s4, s9;
	s11 =	sadd.s32 $0xA00, s7  }
0xb: {  	s6 =	sshrl.u32 s26, $0x3;
	s13 =	sadd.s32 $0x640, s5;
	[dreg:$0x4] =	wrdreg s11  }
0xc: {  	s9 =	sadd.s32 $0xC80, s5;
	s6 =	sadd.s32 s4, s6;
	[dreg:$0x5] =	wrdreg s13  }
0xd: {  	s15 =	sadd.s32 $0x12C0, s5;
	s7 =	sadd.s32 s12, s4;
	[dreg:$0x6] =	wrdreg s9  }
0xe: {  	s13 =	smul.u32 $0x320000, s10;
	[dreg:$0x7] =	wrdreg s15;
	s16 =	sadd.s32 $0x30700, s6  }
0xf: {  	s17 =	sadd.s32 $0x30D40, s6;
	s11 =	sadd.s32 $0x31380, s6;
	[dreg:$0x8] =	wrdreg s16  }
0x10: {  	s12 =	sadd.s32 $0x319C0, s6;
	s18 =	sadd.s32 s14, s7;
	[dreg:$0x9] =	wrdreg s17  }
0x11: {  	[dreg:$0x3] =	wrdreg s18;
	s1 =	sadd.s32 s1, s13;
	s13 =	smax.u32 s25, $0x1  }
0x12: {  	s19 =	sadd.s32 $0x15E00, s1;
	s20 =	sadd.s32 $0x12C00, s1;
	s21 =	sor.u32 $0xFA00, s1  }
0x13: {  	s24 =	sadd.s32 $0x22600, s1;
	s25 =	sadd.s32 $0x1F400, s1;
	s1 =	sadd.s32 $0x1C200, s1  }
0x14: {  	s0 =	sshrl.u32 s19, $0x3;
	s22 =	sshrl.u32 s20, $0x3;
	s23 =	sshrl.u32 s21, $0x3  }
0x15: {  	s26 =	sshrl.u32 s25, $0x3;
	s1 =	sshrl.u32 s1, $0x3;
	s20 =	simm.s32 $0x3  }
0x16: {  	s21 =	simm.s32 $0x320;
	s25 =	simm.s32 $0x9600;
	s14 =	sadd.s32 s0, s4  }
0x17: {  	s15 =	sadd.s32 s22, s4;
	s16 =	sadd.s32 s23, s4;
	s0 =	sshrl.u32 s24, $0x3  }
0x18: {  	s18 =	sadd.s32 s26, s4;
	s19 =	sadd.s32 s1, s4;
	s22 =	simm.s32 $0x6400  }
0x19: {  	s23 =	simm.s32 $0x12C00;
	s24 =	simm.s32 $0x1;
	s26 =	simm.s32 $0xC800  }
0x1a: {  	s1 =	simm.s32 $0x2;
	s17 =	sadd.s32 s0, s4;
	s0 =	simm.s32 $0x0  }
.LBB2_1:
0x1b: {  	s4 =	rddreg [dreg:$0x4]  }
0x1c: {  	[tilespmem:s2], [sflag:$0x3] =	stream.linear.gather [hbm4b:s4+s2], $0x6400, $0x38;
	[tilespmem:$0x1F400] =	vst v63  }
0x1d: {  	_ =	swait.ge [sflag:s20], $0x6400  }
0x1e: {  	[sflag:s20] =	ssyncset.done $0x0  }
0x1f: {  	[sflag:s20] =	ssyncadd.s32 $0xFFFF9C00  }
0x20: {  	[tilespmem:s22], [sflag:$0x1] =	stream.indirect.gather [hbm4b:s3+s21], $0x40, s2, s21, $0xb8;
	[tilespmem:$0x1F400] =	vst v63  }
0x21: {  	_ = 	snop  }
0x22: {  	[tilespmem:s23], [sflag:$0x1] =	stream.indirect.gather [hbm4b:s3+s21], $0x40, s21, s21, $0xb8;
	[tilespmem:$0x1F400] =	vst v63  }
0x23: {  	_ =	swait.ge [sflag:s24], $0xC800  }
0x24: {  	[sflag:s24] =	ssyncset.done $0x0  }
0x25: {  	[sflag:s24] =	ssyncadd.s32 $0xFFFF3800  }
0x26: {  	[hbm4b:s5+s2] =	stream.linear.scatter [tilespmem:s22], [sflag:$0x2], $0x3200, $0x38;
	[tilespmem:$0x1F400] =	vst v63  }
0x27: {  	s9 =	rddreg [dreg:$0x5]  }
0x28: {  	[hbm4b:s9+s2] =	stream.linear.scatter [tilespmem:s25], [sflag:$0x2], $0x3200, $0x38;
	[tilespmem:$0x1F400] =	vst v63  }
0x29: {  	s10 =	rddreg [dreg:$0x6]  }
0x2a: {  	[hbm4b:s10+s2] =	stream.linear.scatter [tilespmem:s26], [sflag:$0x2], $0x3200, $0x38;
	[tilespmem:$0x1F400] =	vst v63  }
0x2b: {  	s6 =	rddreg [dreg:$0x7]  }
0x2c: {  	[hbm4b:s6+s2] =	stream.linear.scatter [tilespmem:s28], [sflag:$0x2], $0x3200, $0x38;
	[tilespmem:$0x1F400] =	vst v63  }
0x2d: {  	_ =	swait.ge [sflag:s24], $0xC800  }
0x2e: {  	s7 =	rddreg [dreg:$0x3]  }
0x2f: {  	[sflag:s24] =	ssyncset.done $0x0;
	s4 =	sadd.s32 $0x0, s7  }
0x30: {  	[sflag:s24] =	ssyncadd.s32 $0xFFFF3800;
	s6 =	sadd.s32 $0x1900, s4  }
0x31: {  	[hbm4b:s6+s2] =	stream.linear.scatter [tilespmem:s23], [sflag:$0x2], $0x3200, $0x38;
	[tilespmem:$0x1F400] =	vst v63  }
0x32: {  	s8 =	sadd.s32 $0x0, s16  }
0x33: {  	[hbm4b:s8+s2] =	stream.linear.scatter [tilespmem:s29], [sflag:$0x2], $0x3200, $0x38;
	[tilespmem:$0x1F400] =	vst v63  }
0x34: {  	s9 =	sadd.s32 $0x0, s15  }
0x35: {  	[hbm4b:s9+s2] =	stream.linear.scatter [tilespmem:s30], [sflag:$0x2], $0x3200, $0x38;
	[tilespmem:$0x1F400] =	vst v63  }
0x36: {  	s10 =	sadd.s32 $0x0, s14  }
0x37: {  	[hbm4b:s10+s2] =	stream.linear.scatter [tilespmem:s31], [sflag:$0x2], $0x3200, $0x38;
	[tilespmem:$0x1F400] =	vst v63  }
0x38: {  	_ =	swait.ge [sflag:s1], $0x3200  }
0x39: {  	[sflag:s1] =	ssyncset.done $0x0  }
0x3a: {  	[sflag:s1] =	ssyncadd.s32 $0xFFFFCE00  }
0x3b: {  	_ =	swait.ge [sflag:s1], $0x3200  }
0x3c: {  	[sflag:s1] =	ssyncset.done $0x0  }
0x3d: {  	[sflag:s1] =	ssyncadd.s32 $0xFFFFCE00  }
0x3e: {  	_ =	swait.ge [sflag:s1], $0x3200  }
0x3f: {  	[sflag:s1] =	ssyncset.done $0x0  }
0x40: {  	[sflag:s1] =	ssyncadd.s32 $0xFFFFCE00  }
0x41: {  	_ =	swait.ge [sflag:s1], $0x3200  }
0x42: {  	[sflag:s1] =	ssyncset.done $0x0  }
0x43: {  	s7 =	simm.s32 $0x640;
	[sflag:s1] =	ssyncadd.s32 $0xFFFFCE00  }
0x44: {  	[tilespmem:s22], [sflag:$0x1] =	stream.indirect.gather [hbm4b:s3+s21], $0x40, s7, s21, $0xb8;
	[tilespmem:$0x1F400] =	vst v63  }
0x45: {  	_ =	swait.ge [sflag:s24], $0xC800  }
0x46: {  	[sflag:s24] =	ssyncset.done $0x0  }
0x47: {  	s4 =	sadd.s32 $0x3200, s4;
	[sflag:s24] =	ssyncadd.s32 $0xFFFF3800  }
0x48: {  	[hbm4b:s4+s2] =	stream.linear.scatter [tilespmem:s22], [sflag:$0x2], $0x3200, $0x38;
	[tilespmem:$0x1F400] =	vst v63  }
0x49: {  	s8 =	sadd.s32 $0x0, s19  }
0x4a: {  	[hbm4b:s8+s2] =	stream.linear.scatter [tilespmem:s25], [sflag:$0x2], $0x3200, $0x38;
	[tilespmem:$0x1F400] =	vst v63  }
0x4b: {  	s9 =	sadd.s32 $0x0, s18  }
0x4c: {  	[hbm4b:s9+s2] =	stream.linear.scatter [tilespmem:s26], [sflag:$0x2], $0x3200, $0x38;
	[tilespmem:$0x1F400] =	vst v63  }
0x4d: {  	s10 =	sadd.s32 $0x0, s17  }
0x4e: {  	[hbm4b:s10+s2] =	stream.linear.scatter [tilespmem:s28], [sflag:$0x2], $0x3200, $0x38;
	[tilespmem:$0x1F400] =	vst v63  }
0x4f: {  	_ =	swait.ge [sflag:s1], $0x3200  }
0x50: {  	[sflag:s1] =	ssyncset.done $0x0  }
0x51: {  	[sflag:s1] =	ssyncadd.s32 $0xFFFFCE00  }
0x52: {  	_ =	swait.ge [sflag:s1], $0x3200  }
0x53: {  	[sflag:s1] =	ssyncset.done $0x0  }
0x54: {  	[sflag:s1] =	ssyncadd.s32 $0xFFFFCE00  }
0x55: {  	_ =	swait.ge [sflag:s1], $0x3200  }
0x56: {  	[sflag:s1] =	ssyncset.done $0x0  }
0x57: {  	[sflag:s1] =	ssyncadd.s32 $0xFFFFCE00  }
0x58: {  	_ =	swait.ge [sflag:s1], $0x3200  }
0x59: {  	s6 =	simm.s32 $0x3200;
	[sflag:s1] =	ssyncset.done $0x0  }
0x5a: {  	s7 =	simm.s32 $0xFA0;
	s4 =	simm.s32 $0x960;
	[sflag:s1] =	ssyncadd.s32 $0xFFFFCE00  }
.LBB2_2:
0x5b: {  	[tilespmem:s23], [sflag:$0x1] =	stream.indirect.gather [hbm4b:s3+s21], $0x40, s4, s21, $0xb8;
	[tilespmem:$0x1F400] =	vst v63  }
0x5c: {  	_ =	swait.ge [sflag:s24], $0xC800  }
0x5d: {  	s8 =	smov.u32 s6;
	s9 =	rddreg [dreg:$0x3]  }
0x5e: {  	[sflag:s24] =	ssyncset.done $0x0;
	s9 =	sadd.s32 s8, s9  }
0x5f: {  	[sflag:s24] =	ssyncadd.s32 $0xFFFF3800;
	s10 =	sadd.s32 $0x1900, s9  }
0x60: {  	[hbm4b:s10+s2] =	stream.linear.scatter [tilespmem:s23], [sflag:$0x2], $0x3200, $0x38;
	[tilespmem:$0x1F400] =	vst v63  }
0x61: {  	s10 =	sadd.s32 s8, s16  }
0x62: {  	[hbm4b:s10+s2] =	stream.linear.scatter [tilespmem:s29], [sflag:$0x2], $0x3200, $0x38;
	[tilespmem:$0x1F400] =	vst v63  }
0x63: {  	s10 =	sadd.s32 s8, s15  }
0x64: {  	[hbm4b:s10+s2] =	stream.linear.scatter [tilespmem:s30], [sflag:$0x2], $0x3200, $0x38;
	[tilespmem:$0x1F400] =	vst v63  }
0x65: {  	s10 =	sadd.s32 s8, s14  }
0x66: {  	[hbm4b:s10+s2] =	stream.linear.scatter [tilespmem:s31], [sflag:$0x2], $0x3200, $0x38;
	[tilespmem:$0x1F400] =	vst v63  }
0x67: {  	_ =	swait.ge [sflag:s1], $0x3200  }
0x68: {  	[sflag:s1] =	ssyncset.done $0x0  }
0x69: {  	[sflag:s1] =	ssyncadd.s32 $0xFFFFCE00  }
0x6a: {  	_ =	swait.ge [sflag:s1], $0x3200  }
0x6b: {  	[sflag:s1] =	ssyncset.done $0x0  }
0x6c: {  	[sflag:s1] =	ssyncadd.s32 $0xFFFFCE00  }
0x6d: {  	_ =	swait.ge [sflag:s1], $0x3200  }
0x6e: {  	[sflag:s1] =	ssyncset.done $0x0  }
0x6f: {  	[sflag:s1] =	ssyncadd.s32 $0xFFFFCE00  }
0x70: {  	_ =	swait.ge [sflag:s1], $0x3200  }
0x71: {  	[sflag:s1] =	ssyncset.done $0x0  }
0x72: {  	s10 =	sadd.s32 $0xFFFFFCE0, s7;
	[sflag:s1] =	ssyncadd.s32 $0xFFFFCE00  }
0x73: {  	[tilespmem:s22], [sflag:$0x1] =	stream.indirect.gather [hbm4b:s3+s21], $0x40, s10, s21, $0xb8;
	[tilespmem:$0x1F400] =	vst v63  }
0x74: {  	_ =	swait.ge [sflag:s24], $0xC800  }
0x75: {  	[sflag:s24] =	ssyncset.done $0x0  }
0x76: {  	s9 =	sadd.s32 $0x3200, s9;
	[sflag:s24] =	ssyncadd.s32 $0xFFFF3800  }
0x77: {  	[hbm4b:s9+s2] =	stream.linear.scatter [tilespmem:s22], [sflag:$0x2], $0x3200, $0x38;
	[tilespmem:$0x1F400] =	vst v63  }
0x78: {  	s10 =	sadd.s32 s8, s19  }
0x79: {  	[hbm4b:s10+s2] =	stream.linear.scatter [tilespmem:s25], [sflag:$0x2], $0x3200, $0x38;
	[tilespmem:$0x1F400] =	vst v63  }
0x7a: {  	s10 =	sadd.s32 s8, s18  }
0x7b: {  	[hbm4b:s10+s2] =	stream.linear.scatter [tilespmem:s26], [sflag:$0x2], $0x3200, $0x38;
	[tilespmem:$0x1F400] =	vst v63  }
0x7c: {  	s8 =	sadd.s32 s8, s17  }
0x7d: {  	[hbm4b:s8+s2] =	stream.linear.scatter [tilespmem:s28], [sflag:$0x2], $0x3200, $0x38;
	[tilespmem:$0x1F400] =	vst v63  }
0x7e: {  	_ =	swait.ge [sflag:s1], $0x3200  }
0x7f: {  	[sflag:s1] =	ssyncset.done $0x0  }
0x80: {  	[sflag:s1] =	ssyncadd.s32 $0xFFFFCE00  }
0x81: {  	_ =	swait.ge [sflag:s1], $0x3200  }
0x82: {  	[sflag:s1] =	ssyncset.done $0x0  }
0x83: {  	[sflag:s1] =	ssyncadd.s32 $0xFFFFCE00  }
0x84: {  	p0 =	sne.s32 s6, $0x2BC00;
	_ =	swait.ge [sflag:s1], $0x3200  }
.Ltmp0:
0x85: {  	[sflag:s1] =	ssyncset.done $0x0;
	(pc) =	sbr.rel @p0 .LBB2_2-.Ltmp0, $4  }
0x86: {  	[sflag:s1] =	ssyncadd.s32 $0xFFFFCE00  }
0x87: {  	_ =	swait.ge [sflag:s1], $0x3200  }
0x88: {  	s4 =	smov.u32 s7;
	[sflag:s1] =	ssyncset.done $0x0  }
0x89: {  	s6 =	sadd.s32 $0x3200, s6;
	s7 =	sadd.s32 $0x640, s7;
	[sflag:s1] =	ssyncadd.s32 $0xFFFFCE00  }
0x8a: {  	[tilespmem:s23], [sflag:$0x1] =	stream.indirect.gather [hbm4b:s3+s21], $0x40, s4, s21, $0xb8;
	[tilespmem:$0x1F400] =	vst v63  }
0x8b: {  	_ =	swait.ge [sflag:s24], $0xC800  }
0x8c: {  	[sflag:s24] =	ssyncset.done $0x0  }
0x8d: {  	s9 =	rddreg [dreg:$0x8];
	[sflag:s24] =	ssyncadd.s32 $0xFFFF3800  }
0x8e: {  	[hbm4b:s9+s2] =	stream.linear.scatter [tilespmem:s23], [sflag:$0x2], $0x3200, $0x38;
	[tilespmem:$0x1F400] =	vst v63  }
0x8f: {  	s10 =	rddreg [dreg:$0x9]  }
0x90: {  	[hbm4b:s10+s2] =	stream.linear.scatter [tilespmem:s29], [sflag:$0x2], $0x3200, $0x38;
	[tilespmem:$0x1F400] =	vst v63  }
0x91: {  	_ = 	snop  }
0x92: {  	[hbm4b:s11+s2] =	stream.linear.scatter [tilespmem:s30], [sflag:$0x2], $0x3200, $0x38;
	[tilespmem:$0x1F400] =	vst v63  }
0x93: {  	_ = 	snop  }
0x94: {  	[hbm4b:s12+s2] =	stream.linear.scatter [tilespmem:s31], [sflag:$0x2], $0x3200, $0x38;
	[tilespmem:$0x1F400] =	vst v63  }
0x95: {  	_ =	swait.ge [sflag:s1], $0x3200  }
0x96: {  	[sflag:s1] =	ssyncset.done $0x0  }
0x97: {  	[sflag:s1] =	ssyncadd.s32 $0xFFFFCE00  }
0x98: {  	_ =	swait.ge [sflag:s1], $0x3200  }
0x99: {  	[sflag:s1] =	ssyncset.done $0x0  }
0x9a: {  	[sflag:s1] =	ssyncadd.s32 $0xFFFFCE00  }
0x9b: {  	_ =	swait.ge [sflag:s1], $0x3200  }
0x9c: {  	[sflag:s1] =	ssyncset.done $0x0  }
0x9d: {  	[sflag:s1] =	ssyncadd.s32 $0xFFFFCE00  }
0x9e: {  	_ =	swait.ge [sflag:s1], $0x3200  }
0x9f: {  	[sflag:s1] =	ssyncset.done $0x0  }
0xa0: {  	[sflag:s1] =	ssyncadd.s32 $0xFFFFCE00  }
0xa1: {  	_ =	swait.ge [sflag:s1], $0x3200  }
0xa2: {  	[sflag:s1] =	ssyncset.done $0x0  }
0xa3: {  	[sflag:s1] =	ssyncadd.s32 $0xFFFFCE00  }
0xa4: {  	_ =	swait.ge [sflag:s1], $0x3200  }
0xa5: {  	[sflag:s1] =	ssyncset.done $0x0  }
0xa6: {  	s0 =	sadd.s32 $0x1, s0;
	[sflag:s1] =	ssyncadd.s32 $0xFFFFCE00  }
0xa7: {  	p0 =	sne.s32 s0, s13;
	_ =	swait.ge [sflag:s1], $0x3200  }
.Ltmp1:
0xa8: {  	[sflag:s1] =	ssyncset.done $0x0;
	(pc) =	sbr.rel @p0 .LBB2_1-.Ltmp1, $4  }
0xa9: {  	[sflag:s1] =	ssyncadd.s32 $0xFFFFCE00  }
0xaa: {  	_ =	swait.ge [sflag:s1], $0x3200  }
0xab: {  	[sflag:s1] =	ssyncset.done $0x0  }
0xac: {  	[sflag:s1] =	ssyncadd.s32 $0xFFFFCE00  }
0xad: {  	_ =	sfence.sel $0x180000  }
0xae: {  	[bflag:$0x0] =	sbarrier.arrive $0xFFFF  }
0xaf: {  	_ =	strace $0x90000047  }
0xb0: {  	s0 =	stileid.u32;
	[bflag:$0x2] =	sbarrier.arrive $0xFFFF  }
0xb1: {  	p0 =	sne.s32 s0, $0x0;
	s0 =	rddreg [dreg:$0x2]  }
0xb2: {  	s0 =	sadd.s32 @!p0 $0x100000, s0  }
0xb3: {  	[sflag:s0] =	ssyncadd.tile.s32 @!p0 $0x1;
	_ =	shalt  }
.Lfunc_end2:
_tile_overlayer_lowered:
.L_overlay_start_2:
0xb4: {  	(tag) =	ssettag $0x2  }
0xb5: {  	s0 =	rddreg [dreg:$0x0];
	s2 =	stileid.u32  }
0xb6: {  	s1 =	rddreg [dreg:$0x1];
	p0 =	sne.s32 s2, $0x0  }
0xb7: {  	s3 =	rddreg [dreg:$0x2];
	[bflag:$0x3] =	sbarrier.arrive $0xFFFF;
	s2 =	simm.s32 @!p0 $0x1C03  }
0xb8: {  	[timem:s3], [sflag:s2] =	dma.local @!p0 [hbm:s0], s1  }
0xb9: {  	s0 =	simm.s32 @!p0 $0x3  }
0xba: {  	_ =	swait.ge @!p0 [sflag:s0], s1  }
0xbb: {  	s1 =	ssub.s32 @!p0 $0x0, s1;
	[sflag:s0] =	ssyncset.done @!p0 $0x0  }
0xbc: {  	[sflag:s0] =	ssyncadd.s32 @!p0 s1  }
0xbd: {  	[bflag:$0x3] =	sbarrier.arrive $0xFFFF  }
0xbe: {  	_ =	shalt  }

// kernel: sparse-core-data-format-call.cloned.1.call-start
scs
called_computation_lowered:
.L_overlay_start_0:
0x0: {  	s2 =	sld [smem:$0x3FD9]  }
0x1: {  	s3 =	sld [smem:$0x3FFE];
	_ =	sdelay $0x1  }
0x2: {  	s1 =	srdreg.scid  }
0x3: {  	s0 =	sand.u32 $0x1, s1  }
0x4: {  	s18 =	sshll.u32 s0, $0xA;
	s2 =	sadd.s32 s3, s2  }
0x5: {  	s2 =	sadd.s32 s2, s18  }
0x6: {  	[smem:$0x3FC6] =	sst s2  }
0x7: {  	_ = 	snop  }
0x8: {  	s2 =	sld [smem:$0x3FD0];
	(tm) =	ssettm $0x1  }
0x9: {  	s19 =	sld [smem:$0x3FFB];
	_ =	sdelay $0x3  }
0xa: {  	_ =	strace s19  }
0xb: {  	s3 =	sld [smem:$0x3FFC];
	_ =	sdelay $0x3  }
0xc: {  	_ =	strace s3  }
0xd: {  	s3 =	sld [smem:$0x3FFD];
	_ =	sdelay $0x3  }
0xe: {  	_ =	strace s3  }
0xf: {  	_ =	strace $0x8FFFFFFF  }
0x10: {  	s20 =	sld [smem:$0x3FDB];
	_ =	sdelay $0x1  }
0x11: {  	s4 =	simm.s32 $_scs_section_size  }
0x12: {  	s5 =	simm.s32 $_size__tile_overlayer_lowered;
	s6 =	simm.s32 $_tile_overlayer_lowered  }
0x13: {  	s23 =	simm.s32 $0x1BFF;
	s22 =	sshll.u32 s6, $0x1;
	s3 =	sadd.s32 s4, s20  }
0x14: {  	s7 =	simm.s32 $0x0;
	s21 =	sshll.u32 s5, $0x1;
	s5 =	sadd.s32 s22, s3  }
0x15: {  	[timem:s7], [sflag:s23] =	dma.local [hbm:s5], s21  }
0x16: {  	_ =	swait.ge [sflag:s23], s21  }
0x17: {  	s4 =	ssub.s32 $0x0, s21;
	[sflag:s23] =	ssyncset.done $0x0  }
0x18: {  	[sflag:s23] =	ssyncadd.s32 s4;
	_ =	sdelay $0x1  }
0x19: {  	s24 =	simm.s32 $0x1B8B  }
0x1a: {  	_ =	swait.ge [sflag:s24], $0x1  }
0x1b: {  	[sflag:s24] =	ssyncset.done $0x0  }
0x1c: {  	s26 =	simm.s32 $0x1B8E;
	s25 =	sld [smem:$0x3FFE];
	[sflag:s24] =	ssyncadd.s32 $0xFFFFFFFF  }
0x1d: {  	s27 =	simm.s32 $execute0_lowered;
	[smem:$0x3FD2] =	sst s26  }
0x1e: {  	s5 =	sshll.u32 s27, $0x1;
	_ =	strace $0x80000049;
	[dreg:$0x1] =	wrdreg $0xFFFFFFFF  }
0x1f: {  	s28 =	simm.s32 $_size_execute0_lowered;
	s3 =	sadd.s32 s3, s5;
	[dreg:$0x0] =	wrdreg $0x0  }
0x20: {  	s5 =	sshll.u32 s28, $0x1;
	[dreg:$0x2] =	wrdreg s3  }
0x21: {  	[dreg:$0x3] =	wrdreg s5  }
0x22: {  	[dreg:$0x4] =	wrdreg $0xC0  }
0x23: {  	_ =	task [dreg:s7], $0x5FFFF  }
0x24: {  	[dreg:$0x1] =	wrdreg $0xFFFFFFFF  }
0x25: {  	[dreg:$0x0] =	wrdreg $0x60  }
0x26: {  	[dreg:$0x2] =	wrdreg s25  }
0x27: {  	[dreg:$0x3] =	wrdreg s2  }
0x28: {  	[dreg:$0x4] =	wrdreg $0x9  }
0x29: {  	_ =	task.clear_ibuf [dreg:s7], $0x5FFFF;
	_ =	strace $0x90000049  }
0x2a: {  	s29 =	simm.s32 $0x9;
	_ =	strace $0x8000004B  }
0x2b: {  	_ =	swait.ge [sflag:s29], $0x1  }
0x2c: {  	[sflag:s29] =	ssyncadd.s32 $0xFFFFFFFF  }
0x2d: {  	_ =	strace $0x9000004B  }
0x2e: {  	_ =	sfence  }
0x2f: {  	s30 =	sld [smem:$0x0];
	_ =	sdelay $0x2  }
0x30: {  	s31 =	sshll.u32 s1, $0xD;
	s1 =	sshrl.u32 s1, $0x2  }
0x31: {  	s3 =	sand.u32 $0x4000, s31;
	s1 =	sadd.s32 s1, s30  }
0x32: {  	s0 =	sor.u32 s3, s0;
	s1 =	sshll.u32 s1, $0x11  }
0x33: {  	s0 =	sor.u32 s1, s0  }
0x34: {  	s0 =	sadd.s32 $0x8F2B, s0  }
0x35: {  	[sflag:s0] =	ssyncadd.remote.s32 $0x1  }
0x36: {  	_ =	sfence.sel $0xFFFF  }
0x37: {  	[dreg:$0x0] =	wrdreg $0xFFFFFFFF;
	(pc) =	sbr.abs _section_cstart, $3  }
0x38: {  	[dreg:$0x1] =	wrdreg $0xFFFFFFFF  }
0x39: {  	_ =	task.clear_ibuf [dreg:s7], $0x2FFFF;
	_ =	strace $0x9FFFFFFF  }
0x3a: {  	(tm) =	ssettm $0x7FFFFFFF  }
0x3b: {  	_ =	shalt  }
tec
execute0_lowered:
.L_overlay_start_1:
0x0: {  	(tag) =	ssettag $0x1  }
0x1: {  	s0 =	srdreg.scid  }
0x2: {  	s1 =	sshll.u32 s0, $0x4  }
0x3: {  	s0 =	stileid.u32;
	s1 =	sand.u32 $0x10, s1  }
0x4: {  	s1 =	sor.u32 s0, s1  }
0x5: {  	s6 =	rddreg [dreg:$0x0];
	s4 =	simm.s32 $0x1;
	s2 =	sshll.u32 s1, $0x7  }
0x6: {  	s7 =	simm.s32 $0x2;
	s12 =	simm.s32 $0x0;
	s1 =	ssub.s32 $0x1000, s2  }
0x7: {  	s8 =	simm.s32 $0x8000;
	s13 =	simm.s32 $0x0;
	s3 =	sand.u32 $0xF80, s1  }
0x8: {  	s9 =	simm.s32 $0x0;
	s5 =	sshrl.u32 s1, $0xC;
	p0 =	sne.s32 s3, $0x0  }
.Ltmp0:
0x9: {  	s1 =	rddreg [dreg:$0x2];
	s4 =	simm.s32 @!p0 $0x0;
	(pc) =	sbr.rel .LBB1_1-.Ltmp0, $4  }
0xa: {  	s11 =	simm.s32 $0x0;
	s3 =	rddreg [dreg:$0x1];
	s5 =	sadd.s32 s4, s5  }
0xb: {  	_ =	strace $0x8000004A;
	s4 =	simm.s32 $0x1;
	s5 =	smul.u32 $0xC8, s5  }
0xc: {  	s6 =	sadd.s32 $0xA00, s6;
	s10 =	smov.u32 s2;
	[sflag:s4] =	ssyncpa.u1 $0x0  }
0xd: {  	p0 =	por $0x0, $0x0;
	[sflag:s7] =	ssyncpa.u1 $0x0;
	s7 =	sor.u32 $0x1, s5  }
.LBB1_4:
0xe: {  	s16 =	sshll.u32 s13, $0x3;
	s17 =	sand.u32 $0x78, s13  }
0xf: {  	s30 =	sand.u32 $0x7E00, s13;
	s12 =	sshll.u32 s12, $0xF;
	s16 =	sand.u32 $0xC00, s16  }
0x10: {  	[tilespmem:s15+$0x810 ss:$0x81] =	vst.msk $0xffff, v2;
	s31 =	sand.u32 $0x7, s13;
	s16 =	sor.u32 s17, s16;
	s17 =	sadd.s32 s3, s30  }
0x11: {  	[tilespmem:s15+$0x1020 ss:$0x81] =	vst.msk $0xffff, v0;
	s13 =	sshll.u32 s31, $0x12;
	s12 =	sadd.s32 s12, s17;
	s16 =	sshrl.u32 s16, $0x3  }
0x12: {  	[tilespmem:s15+$0x0 ss:$0x81] =	vst.msk $0xffff, v1;
	s13 =	sor.u32 $0x400, s13;
	s12 =	sadd.s32 s16, s12  }
0x13: {  	[hbm4b:s12+s13] =	stream.strided.scatter [tilespmem:s14], [sflag:$0x2], $0x2000, s8, s13, $0x20;
	[tilespmem:$0x8080] =	vst v63  }
.LBB1_5:
0x14: {  	s14 =	sadd.s32 $0x1, s9  }
0x15: {  	s12 =	sadd.s32 $0x1000, s10;
	s16 =	smov.u32 s10;
	p2 =	sgt.s32 s14, $0xC7  }
0x16: {  	s16 =	smov.u32 @p2 s12  }
0x17: {  	s14 =	simm.s32 @p2 $0x0;
	p2 =	sgt.s32 s16, $0xFFF  }
0x18: {  	s16 =	smov.u32 @p2 s2;
	p2 =	sne.s32 s11, s7  }
.Ltmp1:
0x19: {  	p1 =	slt.u32 s11, $0x2;
	(pc) =	sbr.rel @!p2 .LBB1_6-.Ltmp1, $4  }
0x1a: {  	s15 =	simm.s32 @!p1 $0x2  }
0x1b: {  	s13 =	smov.u32 s10;
	p0 =	por !p0, !p0;
	_ =	swait.ge @!p1 [sflag:s15], $0x2000  }
0x1c: {  	s12 =	smov.u32 s9;
	[sflag:s15] =	ssyncset.done @!p1 $0x0;
	s9 =	smov.u32 s14  }
0x1d: {  	s11 =	sadd.s32 $0x1, s11;
	[sflag:s15] =	ssyncadd.s32 @!p1 $0xFFFFE000;
	s10 =	smov.u32 s16  }
.LBB1_1:
0x1e: {  	p1 =	sge.u32 s11, s5  }
0x1f: {  	s14 =	sand.u32 @!p1 $0x1FFFFFF, s9  }
0x20: {  	s15 =	smulhi.u32 @!p1 $0x147AE15, s14;
	_ =	sdelay $0x1  }
0x21: {  	s15 =	smul.u32 @!p1 $0xC8, s15  }
0x22: {  	s16 =	sxor.u32 @!p1 $0xFFFFFFFF, s11;
	s17 =	smul.u32 @!p1 $0xC80, s10  }
0x23: {  	s31 =	sadd.s32 $0xFFFFFFFF, s11;
	s16 =	sshll.u32 @!p1 s16, $0xD;
	s14 =	ssub.s32 @!p1 s14, s15  }
0x24: {  	s15 =	sand.u32 @!p1 $0x2000, s16;
	s16 =	sadd.s32 @!p1 s6, s17;
	s14 =	sshll.u32 @!p1 s14, $0x4  }
0x25: {  	s17 =	simm.s32 @!p1 $0x6400;
	s14 =	sadd.s32 @!p1 s14, s16;
	s16 =	simm.s32 @!p1 $0x40  }
0x26: {  	[tilespmem:s15], [sflag:$0x1] =	stream.strided.gather @!p1 [hbm4b:s14+s16], $0x2000, s17, s16, $0x38;
	[tilespmem:$0x8080] =	vst v63  }
0x27: {  	p1 =	sge.u32 s31, s5  }
.Ltmp2:
0x28: {  	_ = 	snop;
	(pc) =	sbr.rel @p1 .LBB1_5-.Ltmp2, $1  }
0x29: {  	_ =	sdelay $0x3  }
0x2a: {  	s14 =	simm.s32 $0x1  }
0x2b: {  	_ =	swait.ge [sflag:s4], $0x2000;
	s14 =	simm.s32 @!p0 $0x0  }
0x2c: {  	[sflag:s4] =	ssyncset.done $0x0;
	s15 =	sshll.u32 s14, $0xD  }
0x2d: {  	[sflag:s4] =	ssyncadd.s32 $0xFFFFE000;
	s18 =	sor.u32 $0x20, s15  }
0x2e: {  	s14 =	smul.u32 $0x8100, s14;
	v3 =	vld [tilespmem:s18+$0x10]  }
0x2f: {  	s30 =	sand.u32 $0x1, s11;
	v2 =	vld [tilespmem:s18+$0xFFFFFFF0]  }
0x30: {  	s15 =	smul.u32 $0x8100, s30;
	s14 =	sshrl.u32 s14, $0x2;
	v0 =	vld [tilespmem:s18+$0x0]  }
0x31: {  	v1 =	vld [tilespmem:s18+$0xFFFFFFE0];
	s16 =	sor.u32 $0x4000, s14  }
0x32: {  	s31 =	sshrl.u32 s15, $0x2;
	s15 =	sadd.s32 $0x0, s16  }
0x33: {  	s17 =	simm.s32 $0x4;
	s18 =	sadd.s32 $0x40, s18;
	s14 =	sor.u32 $0x4000, s31;
	[tilespmem:s15+$0x1830 ss:$0x81] =	vst.msk $0xffff, v3  }
.LBB1_3:
0x34: {  	v3 =	vld [tilespmem:s18+$0x10];
	p1 =	sne.s32 s17, $0x1FC;
	[tilespmem:s15+$0x810 ss:$0x81] =	vst.msk $0xffff, v2;
	s19 =	smov.u32 s17;
	s17 =	sadd.s32 $0x4, s17  }
.Ltmp3:
0x35: {  	v2 =	vld [tilespmem:s18+$0xFFFFFFF0];
	[tilespmem:s15+$0x1020 ss:$0x81] =	vst.msk $0xffff, v0;
	(pc) =	sbr.rel @p1 .LBB1_3-.Ltmp3, $4  }
0x36: {  	v0 =	vld [tilespmem:s18+$0x0];
	[tilespmem:s15+$0x0 ss:$0x81] =	vst.msk $0xffff, v1  }
0x37: {  	s15 =	sshra.s32 s19, $0x2;
	v1 =	vld [tilespmem:s18+$0xFFFFFFE0]  }
0x38: {  	s15 =	sadd.s32 s15, s16  }
0x39: {  	s18 =	sadd.s32 $0x40, s18;
	[tilespmem:s15+$0x1830 ss:$0x81] =	vst.msk $0xffff, v3  }
.Ltmp4:
0x3a: {  	_ = 	snop;
	(pc) =	sbr.rel .LBB1_4-.Ltmp4, $1  }
0x3b: {  	_ =	sdelay $0x3  }
.LBB1_6:
0x3c: {  	_ =	sfence.sel $0x180000  }
0x3d: {  	s2 =	simm.s32 $0x1;
	[bflag:$0x0] =	sbarrier.arrive $0xFFFF  }
0x3e: {  	s31 =	simm.s32 $0x2;
	[sflag:s2] =	ssyncpa.u1 $0x1  }
0x3f: {  	[sflag:s31] =	ssyncpa.u1 $0x1  }
0x40: {  	p0 =	sne.s32 s0, $0x0;
	_ =	strace $0x9000004A  }
0x41: {  	s0 =	sadd.s32 @!p0 $0x100000, s1;
	[bflag:$0x2] =	sbarrier.arrive $0xFFFF  }
0x42: {  	[sflag:s0] =	ssyncadd.tile.s32 @!p0 $0x1;
	_ =	shalt  }
.Lfunc_end1:
_tile_overlayer_lowered:
.L_overlay_start_2:
0x43: {  	(tag) =	ssettag $0x2  }
0x44: {  	s0 =	rddreg [dreg:$0x0];
	s2 =	stileid.u32  }
0x45: {  	s1 =	rddreg [dreg:$0x1];
	p0 =	sne.s32 s2, $0x0  }
0x46: {  	s3 =	rddreg [dreg:$0x2];
	[bflag:$0x3] =	sbarrier.arrive $0xFFFF;
	s2 =	simm.s32 @!p0 $0x1C01  }
0x47: {  	[timem:s3], [sflag:s2] =	dma.local @!p0 [hbm:s0], s1  }
0x48: {  	s0 =	simm.s32 @!p0 $0x1  }
0x49: {  	_ =	swait.ge @!p0 [sflag:s0], s1  }
0x4a: {  	s1 =	ssub.s32 @!p0 $0x0, s1;
	[sflag:s0] =	ssyncset.done @!p0 $0x0  }
0x4b: {  	[sflag:s0] =	ssyncadd.s32 @!p0 s1  }
0x4c: {  	[bflag:$0x3] =	sbarrier.arrive $0xFFFF  }
0x4d: {  	_ =	shalt  }

</sc_bundles>
